<compile_context>
chip_gen: v7x
topology: tpu7x:2x2x1
jax: 0.10.2.dev20260603
libtpu: 0.0.44.dev20260713+nightly
codegen_flags: <defaults>
</compile_context>

<pallas_src>
import functools

import jax
import jax.numpy as jnp
from jax import lax
from jax.experimental import pallas as pl
from jax.experimental.pallas import tpu as pltpu
from jax.experimental.pallas import tpu_sc as plsc

N = 10000
E = 320000
D_IN = 128
D1 = 16
DOUT = 40
DW = 16

NC, NS = 2, 16
NW = NC * NS
EPW = E // NW
B = 125
G = EPW // B
NP = 10240
RPT = NP // NS
ZB = 128
DEG_WIN = 4

_MESH = plsc.VectorSubcoreMesh(core_axis_name="c", subcore_axis_name="s")
_SC_PARAMS = pltpu.CompilerParams(use_tc_tiling_on_sc=False)



@functools.partial(
    pl.kernel,
    out_type=jax.ShapeDtypeStruct((NC * NP, DW), jnp.float32),
    mesh=_MESH,
    compiler_params=_SC_PARAMS,
    scratch_types=[
        pltpu.VMEM((G, B), jnp.int32),
        pltpu.VMEM((B, DW), jnp.float32),
        pltpu.VMEM((ZB, DW), jnp.float32),
        pltpu.VMEM_SHARED((NP, DW), jnp.float32),
        pltpu.SemaphoreType.DMA,
    ],
)
def _deg_kernel(edges_hbm, ones_hbm, zeros_hbm, deg_hbm,
                dst_v, ones_v, zeros_v, deg_sh, sem):
    c = lax.axis_index("c")
    s = lax.axis_index("s")
    wid = s * NC + c
    pltpu.sync_copy(edges_hbm.at[1, wid], dst_v)
    pltpu.sync_copy(ones_hbm, ones_v)
    pltpu.sync_copy(zeros_hbm, zeros_v)

    def zero_body(j, carry):
        pltpu.sync_copy(zeros_v, deg_sh.at[pl.ds(s * RPT + j * ZB, ZB)])
        return carry

    lax.fori_loop(0, RPT // ZB, zero_body, 0)
    plsc.subcore_barrier()

    def body(g, carry):
        pltpu.async_copy(ones_v, deg_sh.at[dst_v.at[g]], sem, add=True)

        @pl.when(g >= DEG_WIN)
        def _():
            pltpu.make_async_copy(ones_hbm, ones_v, sem).wait()

        return carry

    lax.fori_loop(0, G, body, 0)

    def drain_body(j, carry):
        pltpu.make_async_copy(ones_hbm, ones_v, sem).wait()
        return carry

    lax.fori_loop(0, DEG_WIN, drain_body, 0)
    plsc.subcore_barrier()
    pltpu.sync_copy(deg_sh.at[pl.ds(s * RPT, RPT)],
                    deg_hbm.at[pl.ds(c * NP + s * RPT, RPT)])



@functools.partial(
    pl.kernel,
    out_type=jax.ShapeDtypeStruct((NC * NP, D1), jnp.float32),
    mesh=_MESH,
    compiler_params=_SC_PARAMS,
    scratch_types=[
        pltpu.VMEM((G, B), jnp.int32),
        pltpu.VMEM((G, B), jnp.int32),
        pltpu.VMEM((B, D1), jnp.float32),
        pltpu.VMEM((B, D1), jnp.float32),
        pltpu.VMEM((ZB, D1), jnp.float32),
        pltpu.VMEM_SHARED((NP, D1), jnp.float32),
        pltpu.VMEM_SHARED((NP, D1), jnp.float32),
        pltpu.SemaphoreType.DMA,
        pltpu.SemaphoreType.DMA,
    ],
)
def _edge_kernel(edges_hbm, table_hbm, zeros_hbm, acc_hbm,
                 src_v, dst_v, rows0, rows1, zeros_v, acc_sh, table_sh,
                 sem0, sem1):
    c = lax.axis_index("c")
    s = lax.axis_index("s")
    wid = s * NC + c
    pltpu.sync_copy(edges_hbm.at[0, wid], src_v)
    pltpu.sync_copy(edges_hbm.at[1, wid], dst_v)
    pltpu.sync_copy(zeros_hbm, zeros_v)
    pltpu.sync_copy(table_hbm.at[pl.ds(s * RPT, RPT)],
                    table_sh.at[pl.ds(s * RPT, RPT)])

    def zero_body(j, carry):
        pltpu.sync_copy(zeros_v, acc_sh.at[pl.ds(s * RPT + j * ZB, ZB)])
        return carry

    lax.fori_loop(0, RPT // ZB, zero_body, 0)
    plsc.subcore_barrier()

    def wait_gather(buf, sem):
        pltpu.make_async_copy(table_hbm.at[pl.ds(0, B)], buf, sem).wait()

    pltpu.async_copy(table_sh.at[src_v.at[0]], rows0, sem0)

    def body(p, carry):
        g0 = 2 * p
        pltpu.async_copy(table_sh.at[src_v.at[g0 + 1]], rows1, sem1)
        wait_gather(rows0, sem0)
        pltpu.sync_copy(rows0, acc_sh.at[dst_v.at[g0]], add=True)

        @pl.when(p < G // 2 - 1)
        def _():
            pltpu.async_copy(table_sh.at[src_v.at[g0 + 2]], rows0, sem0)

        wait_gather(rows1, sem1)
        pltpu.sync_copy(rows1, acc_sh.at[dst_v.at[g0 + 1]], add=True)
        return carry

    lax.fori_loop(0, G // 2, body, 0)
    plsc.subcore_barrier()
    pltpu.sync_copy(acc_sh.at[pl.ds(s * RPT, RPT)],
                    acc_hbm.at[pl.ds(c * NP + s * RPT, RPT)])



_BLK = 1024
_BLK8 = _BLK // 8
NPP = NP // 8


def _dis_packed(deg_ref):
    dg = deg_ref[...]
    return lax.rsqrt(dg[0] + dg[1] + 1.0)


def _mask_packed(i):
    prow = i * _BLK8 + lax.broadcasted_iota(jnp.int32, (_BLK8, 128), 0)
    sub = lax.broadcasted_iota(jnp.int32, (_BLK8, 128), 1) // D1
    return prow * 8 + sub < N


_deg_spec = pl.BlockSpec((NC, _BLK8, 128), lambda i: (0, i, 0))
_pk_spec = pl.BlockSpec((_BLK8, 128), lambda i: (i, 0))
_acc_spec = pl.BlockSpec((NC, _BLK8, 128), lambda i: (0, i, 0))


def _tc1_body(deg_ref, xpk_ref, wbig_ref, out_ref):
    h = jnp.dot(xpk_ref[...], wbig_ref[...], preferred_element_type=jnp.float32)
    out_ref[...] = jnp.where(_mask_packed(pl.program_id(0)),
                             h * _dis_packed(deg_ref), 0.0)


_tc1 = pl.pallas_call(
    _tc1_body,
    grid=(NPP // _BLK8,),
    in_specs=[
        _deg_spec,
        pl.BlockSpec((_BLK8, 8 * D_IN), lambda i: (i, 0)),
        pl.BlockSpec((8 * D_IN, 128), lambda i: (0, 0)),
    ],
    out_specs=_pk_spec,
    out_shape=jax.ShapeDtypeStruct((NPP, 128), jnp.float32),
)


def _tc2_body(deg_ref, acc_ref, h1s_ref, b1_ref, out_ref):
    dis = _dis_packed(deg_ref)
    acc = acc_ref[0] + acc_ref[1]
    x2 = jnp.maximum(dis * (acc + h1s_ref[...]) + b1_ref[...], 0.0)
    out_ref[...] = jnp.where(_mask_packed(pl.program_id(0)), x2 * dis, 0.0)


_tc2 = pl.pallas_call(
    _tc2_body,
    grid=(NPP // _BLK8,),
    in_specs=[
        _deg_spec,
        _acc_spec,
        _pk_spec,
        pl.BlockSpec((1, 128), lambda i: (0, 0)),
    ],
    out_specs=_pk_spec,
    out_shape=jax.ShapeDtypeStruct((NPP, 128), jnp.float32),
)


def _tc3_body(deg_ref, acc_ref, t2_ref, w2big_ref, b2_ref, sum_ref, rep_ref, out_ref):
    dis = _dis_packed(deg_ref)
    aggp = dis * (acc_ref[0] + acc_ref[1] + t2_ref[...])
    z = jnp.dot(aggp, w2big_ref[...], preferred_element_type=jnp.float32) + b2_ref[...]
    m = jnp.max(z, axis=1, keepdims=True)
    e = jnp.exp(z - m)
    sums = jnp.dot(e, sum_ref[...], preferred_element_type=jnp.float32)
    lse = jnp.log(sums) + m
    out_ref[...] = z - jnp.dot(lse, rep_ref[...], preferred_element_type=jnp.float32)


_tc3 = pl.pallas_call(
    _tc3_body,
    grid=(NPP // _BLK8,),
    in_specs=[
        _deg_spec,
        _acc_spec,
        _pk_spec,
        pl.BlockSpec((128, 8 * DOUT), lambda i: (0, 0)),
        pl.BlockSpec((1, 8 * DOUT), lambda i: (0, 0)),
        pl.BlockSpec((8 * DOUT, 8), lambda i: (0, 0)),
        pl.BlockSpec((8, 8 * DOUT), lambda i: (0, 0)),
    ],
    out_specs=pl.BlockSpec((_BLK8, 8 * DOUT), lambda i: (i, 0)),
    out_shape=jax.ShapeDtypeStruct((N // 8, 8 * DOUT), jnp.float32),
)



def kernel(x, edge_index, W1, b1, W2, b2):
    edges = edge_index.reshape(2, NW, G, B)

    ones_b = jnp.ones((B, DW), jnp.float32)
    zeros_dw = jnp.zeros((ZB, DW), jnp.float32)
    zeros16 = jnp.zeros((ZB, D1), jnp.float32)

    xpk = x.reshape(N // 8, 8 * D_IN)
    w1big = jax.scipy.linalg.block_diag(*([W1] * 8))
    w2big = jax.scipy.linalg.block_diag(*([W2] * 8))
    b1p = jnp.tile(b1, 8).reshape(1, 128)
    b2p = jnp.tile(b2, 8).reshape(1, 8 * DOUT)
    sum_m = jnp.repeat(jnp.eye(8, dtype=jnp.float32), DOUT, axis=0)
    rep_m = sum_m.T

    degp = _deg_kernel(edges, ones_b, zeros_dw).reshape(NC, NPP, 128)
    h1s = _tc1(degp, xpk, w1big)
    acc1 = _edge_kernel(edges, h1s.reshape(NP, D1), zeros16).reshape(NC, NPP, 128)
    t2 = _tc2(degp, acc1, h1s, b1p)
    acc2 = _edge_kernel(edges, t2.reshape(NP, D1), zeros16).reshape(NC, NPP, 128)
    return _tc3(degp, acc2, t2, w2big, b2p, sum_m, rep_m).reshape(N, DOUT)

# --- scband reference (transcript-rebuilt; emitter-appended) ---
"""Pipeline reference for scband-gnn1-60335700574374 (READ-ONLY COPY).

The authoritative reference and input builder live on the scoring server;
editing this copy changes nothing except your own understanding.
"""

import jax, jax.numpy as jnp
import numpy as np

N = 10000
E = 320000
D_IN = 128
D_HID = 16
D_OUT = 40


def setup_inputs(seed: int = 0) -> dict:
    key = jax.random.key(seed)
    k1, k2, k3, k4 = jax.random.split(key, 4)
    x = jax.random.normal(k1, (N, D_IN), dtype=jnp.float32)
    edge_index = jax.random.randint(k2, (2, E), 0, N, dtype=jnp.int32)
    # Glorot-style init for GCNConv linear weights (stored as [in, out])
    W1 = jax.random.normal(k3, (D_IN, D_HID), dtype=jnp.float32) * (1.0 / np.sqrt(D_IN))
    b1 = jnp.zeros((D_HID,), dtype=jnp.float32)
    W2 = jax.random.normal(k4, (D_HID, D_OUT), dtype=jnp.float32) * (1.0 / np.sqrt(D_HID))
    b2 = jnp.zeros((D_OUT,), dtype=jnp.float32)
    return {"x": x, "edge_index": edge_index, "W1": W1, "b1": b1, "W2": W2, "b2": b2}


def _gcn_conv(x, edge_index, W, b):
    # Faithful PyG GCNConv: add self-loops, symmetric D^-1/2 (A+I) D^-1/2 normalization,
    # then linear transform + aggregate + bias.
    n = x.shape[0]
    loop = jnp.arange(n, dtype=edge_index.dtype)
    src = jnp.concatenate([edge_index[0], loop])
    dst = jnp.concatenate([edge_index[1], loop])
    ones = jnp.ones((src.shape[0],), dtype=x.dtype)
    deg = jnp.zeros((n,), dtype=x.dtype).at[dst].add(ones)
    deg_inv_sqrt = jnp.where(deg > 0, jax.lax.rsqrt(jnp.maximum(deg, 1e-12)), 0.0)
    norm = deg_inv_sqrt[src] * deg_inv_sqrt[dst]
    h = x @ W
    msg = h[src] * norm[:, None]
    out = jax.ops.segment_sum(msg, dst, num_segments=n)
    return out + b


def reference(x, edge_index, W1, b1, W2, b2):
    h = _gcn_conv(x, edge_index, W1, b1)
    h = jax.nn.relu(h)
    h = _gcn_conv(h, edge_index, W2, b2)
    return jax.nn.log_softmax(h, axis=1)

if __name__ == "__main__":
    import jax
    _d = setup_inputs()
    print(jax.jit(kernel)(*tuple(_d.values())))

</pallas_src>

<mosaic_0001>
#map = affine_map<(d0, d1) -> (0, 0, 0, 0)>
#map1 = affine_map<(d0, d1) -> (0, 0)>
module attributes {stable_mosaic.version = 14 : i64} {
  func.func @_deg_kernel(%arg0: i32, %arg1: i32, %arg2: memref<2x32x80x125xi32, #tpu.memory_space<hbm>>, %arg3: memref<125x16xf32, #tpu.memory_space<hbm>>, %arg4: memref<128x16xf32, #tpu.memory_space<hbm>>, %arg5: memref<20480x16xf32, #tpu.memory_space<hbm>>, %arg6: memref<80x125xi32, #tpu.memory_space<vmem>>, %arg7: memref<125x16xf32, #tpu.memory_space<vmem>>, %arg8: memref<128x16xf32, #tpu.memory_space<vmem>>, %arg9: memref<10240x16xf32, #tpu.memory_space<vmem_shared>>, %arg10: memref<!tpu.dma_semaphore, #tpu.memory_space<semaphore_mem>>) attributes {dimension_semantics = [#tpu.dimension_semantics<core_parallel>, #tpu.dimension_semantics<subcore_parallel>], iteration_bounds = array<i64: 2, 16>, scalar_prefetch = 0 : i64, scratch_operands = 5 : i64, tpu.core_type = #tpu.core_type<sc_vector_subcore>, window_params = [{transform_indices = #map}, {transform_indices = #map1}, {transform_indices = #map1}, {transform_indices = #map1}]} {
    %mul3A = arith.constant 2 : i32
    %mul3A_0 = arith.muli %arg1, %mul3A : i32
    %add3A = arith.addi %mul3A_0, %arg0 : i32
    %run_scoped3A = arith.constant 1 : i32
    "tpu.region"() ({
      %run_scoped3A_26 = tpu.sem_alloc : memref<!tpu.dma_semaphore, #tpu.memory_space<semaphore_mem>>
      %dma_start3A = arith.constant 0 : i32
      %dma_start3A_27 = arith.constant 0 : i32
      %dma_start3A_28 = tpu.memref_slice %arg2[%run_scoped3A, %add3A, %dma_start3A, %dma_start3A_27] : memref<2x32x80x125xi32, #tpu.memory_space<hbm>> -> memref<1x1x80x125xi32, #tpu.memory_space<hbm>>
      %dma_start3A_29 = tpu.memref_squeeze %dma_start3A_28 : memref<1x1x80x125xi32, #tpu.memory_space<hbm>> -> memref<80x125xi32, #tpu.memory_space<hbm>>
      %dma_start3A_30 = arith.constant 0 : i32
      %dma_start3A_31 = arith.constant 0 : i32
      %dma_start3A_32 = tpu.memref_slice %arg2[%run_scoped3A, %add3A, %dma_start3A_30, %dma_start3A_31] : memref<2x32x80x125xi32, #tpu.memory_space<hbm>> -> memref<1x1x80x125xi32, #tpu.memory_space<hbm>>
      %dma_start3A_33 = tpu.memref_squeeze %dma_start3A_32 : memref<1x1x80x125xi32, #tpu.memory_space<hbm>> -> memref<80x125xi32, #tpu.memory_space<hbm>>
      tpu.enqueue_dma source(%dma_start3A_33 : memref<80x125xi32, #tpu.memory_space<hbm>>) target(%arg6 : memref<80x125xi32, #tpu.memory_space<vmem>>) target_semaphore(%run_scoped3A_26 : memref<!tpu.dma_semaphore, #tpu.memory_space<semaphore_mem>>)
      %dma_wait3A = arith.constant 0 : i32
      %dma_wait3A_34 = arith.constant 0 : i32
      %dma_wait3A_35 = tpu.memref_slice %arg2[%run_scoped3A, %add3A, %dma_wait3A, %dma_wait3A_34] : memref<2x32x80x125xi32, #tpu.memory_space<hbm>> -> memref<1x1x80x125xi32, #tpu.memory_space<hbm>>
      %dma_wait3A_36 = tpu.memref_squeeze %dma_wait3A_35 : memref<1x1x80x125xi32, #tpu.memory_space<hbm>> -> memref<80x125xi32, #tpu.memory_space<hbm>>
      %dma_wait3A_37 = arith.constant 0 : i32
      %dma_wait3A_38 = arith.constant 0 : i32
      %dma_wait3A_39 = tpu.memref_slice %arg2[%run_scoped3A, %add3A, %dma_wait3A_37, %dma_wait3A_38] : memref<2x32x80x125xi32, #tpu.memory_space<hbm>> -> memref<1x1x80x125xi32, #tpu.memory_space<hbm>>
      %dma_wait3A_40 = tpu.memref_squeeze %dma_wait3A_39 : memref<1x1x80x125xi32, #tpu.memory_space<hbm>> -> memref<80x125xi32, #tpu.memory_space<hbm>>
      tpu.wait_dma2 semaphore(%run_scoped3A_26 : memref<!tpu.dma_semaphore, #tpu.memory_space<semaphore_mem>>) src(%dma_wait3A_40 : memref<80x125xi32, #tpu.memory_space<hbm>>) dst(%arg6 : memref<80x125xi32, #tpu.memory_space<vmem>>)
      tpu.yield
    }) : () -> ()
    "tpu.region"() ({
      %run_scoped3A_26 = tpu.sem_alloc : memref<!tpu.dma_semaphore, #tpu.memory_space<semaphore_mem>>
      tpu.enqueue_dma source(%arg3 : memref<125x16xf32, #tpu.memory_space<hbm>>) target(%arg7 : memref<125x16xf32, #tpu.memory_space<vmem>>) target_semaphore(%run_scoped3A_26 : memref<!tpu.dma_semaphore, #tpu.memory_space<semaphore_mem>>)
      tpu.wait_dma2 semaphore(%run_scoped3A_26 : memref<!tpu.dma_semaphore, #tpu.memory_space<semaphore_mem>>) src(%arg3 : memref<125x16xf32, #tpu.memory_space<hbm>>) dst(%arg7 : memref<125x16xf32, #tpu.memory_space<vmem>>)
      tpu.yield
    }) : () -> ()
    "tpu.region"() ({
      %run_scoped3A_26 = tpu.sem_alloc : memref<!tpu.dma_semaphore, #tpu.memory_space<semaphore_mem>>
      tpu.enqueue_dma source(%arg4 : memref<128x16xf32, #tpu.memory_space<hbm>>) target(%arg8 : memref<128x16xf32, #tpu.memory_space<vmem>>) target_semaphore(%run_scoped3A_26 : memref<!tpu.dma_semaphore, #tpu.memory_space<semaphore_mem>>)
      tpu.wait_dma2 semaphore(%run_scoped3A_26 : memref<!tpu.dma_semaphore, #tpu.memory_space<semaphore_mem>>) src(%arg4 : memref<128x16xf32, #tpu.memory_space<hbm>>) dst(%arg8 : memref<128x16xf32, #tpu.memory_space<vmem>>)
      tpu.yield
    }) : () -> ()
    %scan3A = arith.constant 0 : i32
    %scan3A_1 = arith.constant 0 : i32
    %scan3A_2 = arith.constant 5 : i32
    %scan3A_3 = arith.addi %scan3A_1, %scan3A_2 : i32
    %scan3A_4 = arith.constant 1 : i32
    scf.for %scan3A_26 = %scan3A_1 to %scan3A_3 step %scan3A_4  : i32 {
      %mul3A_27 = arith.constant 640 : i32
      %mul3A_28 = arith.muli %arg1, %mul3A_27 : i32
      %mul3A_29 = arith.constant 128 : i32
      %mul3A_30 = arith.muli %scan3A_26, %mul3A_29 : i32
      %add3A_31 = arith.addi %mul3A_28, %mul3A_30 : i32
      "tpu.region"() ({
        %run_scoped3A_32 = tpu.sem_alloc : memref<!tpu.dma_semaphore, #tpu.memory_space<semaphore_mem>>
        %dma_start3A = arith.constant 0 : i32
        %dma_start3A_33 = tpu.memref_slice %arg9[%add3A_31, %dma_start3A] : memref<10240x16xf32, #tpu.memory_space<vmem_shared>> -> memref<128x16xf32, #tpu.memory_space<vmem_shared>>
        %dma_start3A_34 = arith.constant 0 : i32
        %dma_start3A_35 = tpu.memref_slice %arg9[%add3A_31, %dma_start3A_34] : memref<10240x16xf32, #tpu.memory_space<vmem_shared>> -> memref<128x16xf32, #tpu.memory_space<vmem_shared>>
        tpu.enqueue_dma source(%arg8 : memref<128x16xf32, #tpu.memory_space<vmem>>) target(%dma_start3A_35 : memref<128x16xf32, #tpu.memory_space<vmem_shared>>) target_semaphore(%run_scoped3A_32 : memref<!tpu.dma_semaphore, #tpu.memory_space<semaphore_mem>>)
        %dma_wait3A = arith.constant 0 : i32
        %dma_wait3A_36 = tpu.memref_slice %arg9[%add3A_31, %dma_wait3A] : memref<10240x16xf32, #tpu.memory_space<vmem_shared>> -> memref<128x16xf32, #tpu.memory_space<vmem_shared>>
        %dma_wait3A_37 = arith.constant 0 : i32
        %dma_wait3A_38 = tpu.memref_slice %arg9[%add3A_31, %dma_wait3A_37] : memref<10240x16xf32, #tpu.memory_space<vmem_shared>> -> memref<128x16xf32, #tpu.memory_space<vmem_shared>>
        tpu.wait_dma2 semaphore(%run_scoped3A_32 : memref<!tpu.dma_semaphore, #tpu.memory_space<semaphore_mem>>) src(%arg8 : memref<128x16xf32, #tpu.memory_space<vmem>>) dst(%dma_wait3A_38 : memref<128x16xf32, #tpu.memory_space<vmem_shared>>)
        tpu.yield
      }) : () -> ()
    }
    %scan3A_5 = arith.constant 5 : i32
    %barrier3A = arith.constant 0 : index
    tpu.barrier barrier_id(%barrier3A)
    %scan3A_6 = arith.constant 0 : i32
    %scan3A_7 = arith.constant 0 : i32
    %scan3A_8 = arith.constant 80 : i32
    %scan3A_9 = arith.addi %scan3A_7, %scan3A_8 : i32
    %scan3A_10 = arith.constant 1 : i32
    scf.for %scan3A_26 = %scan3A_7 to %scan3A_9 step %scan3A_10  : i32 {
      %dma_start3A = arith.constant 0 : i32
      %dma_start3A_27 = tpu.memref_slice %arg6[%scan3A_26, %dma_start3A] : memref<80x125xi32, #tpu.memory_space<vmem>> -> memref<1x125xi32, #tpu.memory_space<vmem>>
      %dma_start3A_28 = tpu.memref_squeeze %dma_start3A_27 : memref<1x125xi32, #tpu.memory_space<vmem>> -> memref<125xi32, #tpu.memory_space<vmem>>
      %dma_start3A_29 = arith.constant 0 : i32
      %dma_start3A_30 = arith.constant 0 : i32
      %dma_start3A_31 = tpu.memref_slice %arg9[%dma_start3A_29, %dma_start3A_30] : memref<10240x16xf32, #tpu.memory_space<vmem_shared>> -> memref<10240x16xf32, #tpu.memory_space<vmem_shared>>
      tpu.enqueue_indirect_dma source(%arg7 : memref<125x16xf32, #tpu.memory_space<vmem>>) target(%dma_start3A_31 : memref<10240x16xf32, #tpu.memory_space<vmem_shared>>) offsets(%dma_start3A_28 : memref<125xi32, #tpu.memory_space<vmem>>) semaphore(%arg10 : memref<!tpu.dma_semaphore, #tpu.memory_space<semaphore_mem>>) {add = true}
      %ge3A = arith.constant 4 : i32
      %ge3A_32 = arith.cmpi sge, %scan3A_26, %ge3A : i32
      %convert_element_type3A = arith.extui %ge3A_32 : i1 to i32
      %cond3A = arith.constant 0 : i32
      %cond3A_33 = arith.cmpi ne, %convert_element_type3A, %cond3A : i32
      scf.if %cond3A_33 {
        tpu.wait_dma2 semaphore(%arg10 : memref<!tpu.dma_semaphore, #tpu.memory_space<semaphore_mem>>) src(%arg3 : memref<125x16xf32, #tpu.memory_space<hbm>>) dst(%arg7 : memref<125x16xf32, #tpu.memory_space<vmem>>)
      } else {
      }
    }
    %scan3A_11 = arith.constant 80 : i32
    %scan3A_12 = arith.constant 0 : i32
    %scan3A_13 = arith.constant 0 : i32
    %scan3A_14 = arith.constant 4 : i32
    %scan3A_15 = arith.addi %scan3A_13, %scan3A_14 : i32
    %scan3A_16 = arith.constant 1 : i32
    scf.for %scan3A_26 = %scan3A_13 to %scan3A_15 step %scan3A_16  : i32 {
      tpu.wait_dma2 semaphore(%arg10 : memref<!tpu.dma_semaphore, #tpu.memory_space<semaphore_mem>>) src(%arg3 : memref<125x16xf32, #tpu.memory_space<hbm>>) dst(%arg7 : memref<125x16xf32, #tpu.memory_space<vmem>>)
    }
    %scan3A_17 = arith.constant 4 : i32
    %barrier3A_18 = arith.constant 0 : index
    tpu.barrier barrier_id(%barrier3A_18)
    %mul3A_19 = arith.constant 640 : i32
    %mul3A_20 = arith.muli %arg1, %mul3A_19 : i32
    %mul3A_21 = arith.constant 10240 : i32
    %mul3A_22 = arith.muli %arg0, %mul3A_21 : i32
    %mul3A_23 = arith.constant 640 : i32
    %mul3A_24 = arith.muli %arg1, %mul3A_23 : i32
    %add3A_25 = arith.addi %mul3A_22, %mul3A_24 : i32
    "tpu.region"() ({
      %run_scoped3A_26 = tpu.sem_alloc : memref<!tpu.dma_semaphore, #tpu.memory_space<semaphore_mem>>
      %dma_start3A = arith.constant 0 : i32
      %dma_start3A_27 = tpu.memref_slice %arg5[%add3A_25, %dma_start3A] : memref<20480x16xf32, #tpu.memory_space<hbm>> -> memref<640x16xf32, #tpu.memory_space<hbm>>
      %dma_start3A_28 = arith.constant 0 : i32
      %dma_start3A_29 = tpu.memref_slice %arg9[%mul3A_20, %dma_start3A_28] : memref<10240x16xf32, #tpu.memory_space<vmem_shared>> -> memref<640x16xf32, #tpu.memory_space<vmem_shared>>
      tpu.enqueue_dma source(%dma_start3A_29 : memref<640x16xf32, #tpu.memory_space<vmem_shared>>) target(%dma_start3A_27 : memref<640x16xf32, #tpu.memory_space<hbm>>) target_semaphore(%run_scoped3A_26 : memref<!tpu.dma_semaphore, #tpu.memory_space<semaphore_mem>>)
      %dma_wait3A = arith.constant 0 : i32
      %dma_wait3A_30 = tpu.memref_slice %arg5[%add3A_25, %dma_wait3A] : memref<20480x16xf32, #tpu.memory_space<hbm>> -> memref<640x16xf32, #tpu.memory_space<hbm>>
      %dma_wait3A_31 = arith.constant 0 : i32
      %dma_wait3A_32 = tpu.memref_slice %arg9[%mul3A_20, %dma_wait3A_31] : memref<10240x16xf32, #tpu.memory_space<vmem_shared>> -> memref<640x16xf32, #tpu.memory_space<vmem_shared>>
      tpu.wait_dma2 semaphore(%run_scoped3A_26 : memref<!tpu.dma_semaphore, #tpu.memory_space<semaphore_mem>>) src(%dma_wait3A_32 : memref<640x16xf32, #tpu.memory_space<vmem_shared>>) dst(%dma_wait3A_30 : memref<640x16xf32, #tpu.memory_space<hbm>>)
      tpu.yield
    }) : () -> ()
    return
  }
}

#map = affine_map<(d0, d1) -> (0, 0, 0, 0)>
#map1 = affine_map<(d0, d1) -> (0, 0)>
module attributes {stable_mosaic.version = 14 : i64} {
  func.func @_edge_kernel(%arg0: i32, %arg1: i32, %arg2: memref<2x32x80x125xi32, #tpu.memory_space<hbm>>, %arg3: memref<10240x16xf32, #tpu.memory_space<hbm>>, %arg4: memref<128x16xf32, #tpu.memory_space<hbm>>, %arg5: memref<20480x16xf32, #tpu.memory_space<hbm>>, %arg6: memref<80x125xi32, #tpu.memory_space<vmem>>, %arg7: memref<80x125xi32, #tpu.memory_space<vmem>>, %arg8: memref<125x16xf32, #tpu.memory_space<vmem>>, %arg9: memref<125x16xf32, #tpu.memory_space<vmem>>, %arg10: memref<128x16xf32, #tpu.memory_space<vmem>>, %arg11: memref<10240x16xf32, #tpu.memory_space<vmem_shared>>, %arg12: memref<10240x16xf32, #tpu.memory_space<vmem_shared>>, %arg13: memref<!tpu.dma_semaphore, #tpu.memory_space<semaphore_mem>>, %arg14: memref<!tpu.dma_semaphore, #tpu.memory_space<semaphore_mem>>) attributes {dimension_semantics = [#tpu.dimension_semantics<core_parallel>, #tpu.dimension_semantics<subcore_parallel>], iteration_bounds = array<i64: 2, 16>, scalar_prefetch = 0 : i64, scratch_operands = 9 : i64, tpu.core_type = #tpu.core_type<sc_vector_subcore>, window_params = [{transform_indices = #map}, {transform_indices = #map1}, {transform_indices = #map1}, {transform_indices = #map1}]} {
    %mul3A = arith.constant 2 : i32
    %mul3A_0 = arith.muli %arg1, %mul3A : i32
    %add3A = arith.addi %mul3A_0, %arg0 : i32
    %run_scoped3A = arith.constant 0 : i32
    "tpu.region"() ({
      %run_scoped3A_31 = tpu.sem_alloc : memref<!tpu.dma_semaphore, #tpu.memory_space<semaphore_mem>>
      %dma_start3A_32 = arith.constant 0 : i32
      %dma_start3A_33 = arith.constant 0 : i32
      %dma_start3A_34 = tpu.memref_slice %arg2[%run_scoped3A, %add3A, %dma_start3A_32, %dma_start3A_33] : memref<2x32x80x125xi32, #tpu.memory_space<hbm>> -> memref<1x1x80x125xi32, #tpu.memory_space<hbm>>
      %dma_start3A_35 = tpu.memref_squeeze %dma_start3A_34 : memref<1x1x80x125xi32, #tpu.memory_space<hbm>> -> memref<80x125xi32, #tpu.memory_space<hbm>>
      %dma_start3A_36 = arith.constant 0 : i32
      %dma_start3A_37 = arith.constant 0 : i32
      %dma_start3A_38 = tpu.memref_slice %arg2[%run_scoped3A, %add3A, %dma_start3A_36, %dma_start3A_37] : memref<2x32x80x125xi32, #tpu.memory_space<hbm>> -> memref<1x1x80x125xi32, #tpu.memory_space<hbm>>
      %dma_start3A_39 = tpu.memref_squeeze %dma_start3A_38 : memref<1x1x80x125xi32, #tpu.memory_space<hbm>> -> memref<80x125xi32, #tpu.memory_space<hbm>>
      tpu.enqueue_dma source(%dma_start3A_39 : memref<80x125xi32, #tpu.memory_space<hbm>>) target(%arg6 : memref<80x125xi32, #tpu.memory_space<vmem>>) target_semaphore(%run_scoped3A_31 : memref<!tpu.dma_semaphore, #tpu.memory_space<semaphore_mem>>)
      %dma_wait3A = arith.constant 0 : i32
      %dma_wait3A_40 = arith.constant 0 : i32
      %dma_wait3A_41 = tpu.memref_slice %arg2[%run_scoped3A, %add3A, %dma_wait3A, %dma_wait3A_40] : memref<2x32x80x125xi32, #tpu.memory_space<hbm>> -> memref<1x1x80x125xi32, #tpu.memory_space<hbm>>
      %dma_wait3A_42 = tpu.memref_squeeze %dma_wait3A_41 : memref<1x1x80x125xi32, #tpu.memory_space<hbm>> -> memref<80x125xi32, #tpu.memory_space<hbm>>
      %dma_wait3A_43 = arith.constant 0 : i32
      %dma_wait3A_44 = arith.constant 0 : i32
      %dma_wait3A_45 = tpu.memref_slice %arg2[%run_scoped3A, %add3A, %dma_wait3A_43, %dma_wait3A_44] : memref<2x32x80x125xi32, #tpu.memory_space<hbm>> -> memref<1x1x80x125xi32, #tpu.memory_space<hbm>>
      %dma_wait3A_46 = tpu.memref_squeeze %dma_wait3A_45 : memref<1x1x80x125xi32, #tpu.memory_space<hbm>> -> memref<80x125xi32, #tpu.memory_space<hbm>>
      tpu.wait_dma2 semaphore(%run_scoped3A_31 : memref<!tpu.dma_semaphore, #tpu.memory_space<semaphore_mem>>) src(%dma_wait3A_46 : memref<80x125xi32, #tpu.memory_space<hbm>>) dst(%arg6 : memref<80x125xi32, #tpu.memory_space<vmem>>)
      tpu.yield
    }) : () -> ()
    %run_scoped3A_1 = arith.constant 1 : i32
    "tpu.region"() ({
      %run_scoped3A_31 = tpu.sem_alloc : memref<!tpu.dma_semaphore, #tpu.memory_space<semaphore_mem>>
      %dma_start3A_32 = arith.constant 0 : i32
      %dma_start3A_33 = arith.constant 0 : i32
      %dma_start3A_34 = tpu.memref_slice %arg2[%run_scoped3A_1, %add3A, %dma_start3A_32, %dma_start3A_33] : memref<2x32x80x125xi32, #tpu.memory_space<hbm>> -> memref<1x1x80x125xi32, #tpu.memory_space<hbm>>
      %dma_start3A_35 = tpu.memref_squeeze %dma_start3A_34 : memref<1x1x80x125xi32, #tpu.memory_space<hbm>> -> memref<80x125xi32, #tpu.memory_space<hbm>>
      %dma_start3A_36 = arith.constant 0 : i32
      %dma_start3A_37 = arith.constant 0 : i32
      %dma_start3A_38 = tpu.memref_slice %arg2[%run_scoped3A_1, %add3A, %dma_start3A_36, %dma_start3A_37] : memref<2x32x80x125xi32, #tpu.memory_space<hbm>> -> memref<1x1x80x125xi32, #tpu.memory_space<hbm>>
      %dma_start3A_39 = tpu.memref_squeeze %dma_start3A_38 : memref<1x1x80x125xi32, #tpu.memory_space<hbm>> -> memref<80x125xi32, #tpu.memory_space<hbm>>
      tpu.enqueue_dma source(%dma_start3A_39 : memref<80x125xi32, #tpu.memory_space<hbm>>) target(%arg7 : memref<80x125xi32, #tpu.memory_space<vmem>>) target_semaphore(%run_scoped3A_31 : memref<!tpu.dma_semaphore, #tpu.memory_space<semaphore_mem>>)
      %dma_wait3A = arith.constant 0 : i32
      %dma_wait3A_40 = arith.constant 0 : i32
      %dma_wait3A_41 = tpu.memref_slice %arg2[%run_scoped3A_1, %add3A, %dma_wait3A, %dma_wait3A_40] : memref<2x32x80x125xi32, #tpu.memory_space<hbm>> -> memref<1x1x80x125xi32, #tpu.memory_space<hbm>>
      %dma_wait3A_42 = tpu.memref_squeeze %dma_wait3A_41 : memref<1x1x80x125xi32, #tpu.memory_space<hbm>> -> memref<80x125xi32, #tpu.memory_space<hbm>>
      %dma_wait3A_43 = arith.constant 0 : i32
      %dma_wait3A_44 = arith.constant 0 : i32
      %dma_wait3A_45 = tpu.memref_slice %arg2[%run_scoped3A_1, %add3A, %dma_wait3A_43, %dma_wait3A_44] : memref<2x32x80x125xi32, #tpu.memory_space<hbm>> -> memref<1x1x80x125xi32, #tpu.memory_space<hbm>>
      %dma_wait3A_46 = tpu.memref_squeeze %dma_wait3A_45 : memref<1x1x80x125xi32, #tpu.memory_space<hbm>> -> memref<80x125xi32, #tpu.memory_space<hbm>>
      tpu.wait_dma2 semaphore(%run_scoped3A_31 : memref<!tpu.dma_semaphore, #tpu.memory_space<semaphore_mem>>) src(%dma_wait3A_46 : memref<80x125xi32, #tpu.memory_space<hbm>>) dst(%arg7 : memref<80x125xi32, #tpu.memory_space<vmem>>)
      tpu.yield
    }) : () -> ()
    "tpu.region"() ({
      %run_scoped3A_31 = tpu.sem_alloc : memref<!tpu.dma_semaphore, #tpu.memory_space<semaphore_mem>>
      tpu.enqueue_dma source(%arg4 : memref<128x16xf32, #tpu.memory_space<hbm>>) target(%arg10 : memref<128x16xf32, #tpu.memory_space<vmem>>) target_semaphore(%run_scoped3A_31 : memref<!tpu.dma_semaphore, #tpu.memory_space<semaphore_mem>>)
      tpu.wait_dma2 semaphore(%run_scoped3A_31 : memref<!tpu.dma_semaphore, #tpu.memory_space<semaphore_mem>>) src(%arg4 : memref<128x16xf32, #tpu.memory_space<hbm>>) dst(%arg10 : memref<128x16xf32, #tpu.memory_space<vmem>>)
      tpu.yield
    }) : () -> ()
    %mul3A_2 = arith.constant 640 : i32
    %mul3A_3 = arith.muli %arg1, %mul3A_2 : i32
    %mul3A_4 = arith.constant 640 : i32
    %mul3A_5 = arith.muli %arg1, %mul3A_4 : i32
    "tpu.region"() ({
      %run_scoped3A_31 = tpu.sem_alloc : memref<!tpu.dma_semaphore, #tpu.memory_space<semaphore_mem>>
      %dma_start3A_32 = arith.constant 0 : i32
      %dma_start3A_33 = tpu.memref_slice %arg12[%mul3A_5, %dma_start3A_32] : memref<10240x16xf32, #tpu.memory_space<vmem_shared>> -> memref<640x16xf32, #tpu.memory_space<vmem_shared>>
      %dma_start3A_34 = arith.constant 0 : i32
      %dma_start3A_35 = tpu.memref_slice %arg3[%mul3A_3, %dma_start3A_34] : memref<10240x16xf32, #tpu.memory_space<hbm>> -> memref<640x16xf32, #tpu.memory_space<hbm>>
      tpu.enqueue_dma source(%dma_start3A_35 : memref<640x16xf32, #tpu.memory_space<hbm>>) target(%dma_start3A_33 : memref<640x16xf32, #tpu.memory_space<vmem_shared>>) target_semaphore(%run_scoped3A_31 : memref<!tpu.dma_semaphore, #tpu.memory_space<semaphore_mem>>)
      %dma_wait3A = arith.constant 0 : i32
      %dma_wait3A_36 = tpu.memref_slice %arg12[%mul3A_5, %dma_wait3A] : memref<10240x16xf32, #tpu.memory_space<vmem_shared>> -> memref<640x16xf32, #tpu.memory_space<vmem_shared>>
      %dma_wait3A_37 = arith.constant 0 : i32
      %dma_wait3A_38 = tpu.memref_slice %arg3[%mul3A_3, %dma_wait3A_37] : memref<10240x16xf32, #tpu.memory_space<hbm>> -> memref<640x16xf32, #tpu.memory_space<hbm>>
      tpu.wait_dma2 semaphore(%run_scoped3A_31 : memref<!tpu.dma_semaphore, #tpu.memory_space<semaphore_mem>>) src(%dma_wait3A_38 : memref<640x16xf32, #tpu.memory_space<hbm>>) dst(%dma_wait3A_36 : memref<640x16xf32, #tpu.memory_space<vmem_shared>>)
      tpu.yield
    }) : () -> ()
    %scan3A = arith.constant 0 : i32
    %scan3A_6 = arith.constant 0 : i32
    %scan3A_7 = arith.constant 5 : i32
    %scan3A_8 = arith.addi %scan3A_6, %scan3A_7 : i32
    %scan3A_9 = arith.constant 1 : i32
    scf.for %scan3A_31 = %scan3A_6 to %scan3A_8 step %scan3A_9  : i32 {
      %mul3A_32 = arith.constant 640 : i32
      %mul3A_33 = arith.muli %arg1, %mul3A_32 : i32
      %mul3A_34 = arith.constant 128 : i32
      %mul3A_35 = arith.muli %scan3A_31, %mul3A_34 : i32
      %add3A_36 = arith.addi %mul3A_33, %mul3A_35 : i32
      "tpu.region"() ({
        %run_scoped3A_37 = tpu.sem_alloc : memref<!tpu.dma_semaphore, #tpu.memory_space<semaphore_mem>>
        %dma_start3A_38 = arith.constant 0 : i32
        %dma_start3A_39 = tpu.memref_slice %arg11[%add3A_36, %dma_start3A_38] : memref<10240x16xf32, #tpu.memory_space<vmem_shared>> -> memref<128x16xf32, #tpu.memory_space<vmem_shared>>
        %dma_start3A_40 = arith.constant 0 : i32
        %dma_start3A_41 = tpu.memref_slice %arg11[%add3A_36, %dma_start3A_40] : memref<10240x16xf32, #tpu.memory_space<vmem_shared>> -> memref<128x16xf32, #tpu.memory_space<vmem_shared>>
        tpu.enqueue_dma source(%arg10 : memref<128x16xf32, #tpu.memory_space<vmem>>) target(%dma_start3A_41 : memref<128x16xf32, #tpu.memory_space<vmem_shared>>) target_semaphore(%run_scoped3A_37 : memref<!tpu.dma_semaphore, #tpu.memory_space<semaphore_mem>>)
        %dma_wait3A = arith.constant 0 : i32
        %dma_wait3A_42 = tpu.memref_slice %arg11[%add3A_36, %dma_wait3A] : memref<10240x16xf32, #tpu.memory_space<vmem_shared>> -> memref<128x16xf32, #tpu.memory_space<vmem_shared>>
        %dma_wait3A_43 = arith.constant 0 : i32
        %dma_wait3A_44 = tpu.memref_slice %arg11[%add3A_36, %dma_wait3A_43] : memref<10240x16xf32, #tpu.memory_space<vmem_shared>> -> memref<128x16xf32, #tpu.memory_space<vmem_shared>>
        tpu.wait_dma2 semaphore(%run_scoped3A_37 : memref<!tpu.dma_semaphore, #tpu.memory_space<semaphore_mem>>) src(%arg10 : memref<128x16xf32, #tpu.memory_space<vmem>>) dst(%dma_wait3A_44 : memref<128x16xf32, #tpu.memory_space<vmem_shared>>)
        tpu.yield
      }) : () -> ()
    }
    %scan3A_10 = arith.constant 5 : i32
    %barrier3A = arith.constant 0 : index
    tpu.barrier barrier_id(%barrier3A)
    %dma_start3A = arith.constant 0 : i32
    %dma_start3A_11 = arith.constant 0 : i32
    %dma_start3A_12 = tpu.memref_slice %arg6[%dma_start3A, %dma_start3A_11] : memref<80x125xi32, #tpu.memory_space<vmem>> -> memref<1x125xi32, #tpu.memory_space<vmem>>
    %dma_start3A_13 = tpu.memref_squeeze %dma_start3A_12 : memref<1x125xi32, #tpu.memory_space<vmem>> -> memref<125xi32, #tpu.memory_space<vmem>>
    %dma_start3A_14 = arith.constant 0 : i32
    %dma_start3A_15 = arith.constant 0 : i32
    %dma_start3A_16 = tpu.memref_slice %arg12[%dma_start3A_14, %dma_start3A_15] : memref<10240x16xf32, #tpu.memory_space<vmem_shared>> -> memref<10240x16xf32, #tpu.memory_space<vmem_shared>>
    tpu.enqueue_indirect_dma source(%dma_start3A_16 : memref<10240x16xf32, #tpu.memory_space<vmem_shared>>) target(%arg8 : memref<125x16xf32, #tpu.memory_space<vmem>>) offsets(%dma_start3A_13 : memref<125xi32, #tpu.memory_space<vmem>>) semaphore(%arg13 : memref<!tpu.dma_semaphore, #tpu.memory_space<semaphore_mem>>)
    %scan3A_17 = arith.constant 0 : i32
    %scan3A_18 = arith.constant 0 : i32
    %scan3A_19 = arith.constant 40 : i32
    %scan3A_20 = arith.addi %scan3A_18, %scan3A_19 : i32
    %scan3A_21 = arith.constant 1 : i32
    scf.for %scan3A_31 = %scan3A_18 to %scan3A_20 step %scan3A_21  : i32 {
      %mul3A_32 = arith.constant 2 : i32
      %mul3A_33 = arith.muli %mul3A_32, %scan3A_31 : i32
      %add3A_34 = arith.constant 1 : i32
      %add3A_35 = arith.addi %mul3A_33, %add3A_34 : i32
      %dma_start3A_36 = arith.constant 0 : i32
      %dma_start3A_37 = tpu.memref_slice %arg6[%add3A_35, %dma_start3A_36] : memref<80x125xi32, #tpu.memory_space<vmem>> -> memref<1x125xi32, #tpu.memory_space<vmem>>
      %dma_start3A_38 = tpu.memref_squeeze %dma_start3A_37 : memref<1x125xi32, #tpu.memory_space<vmem>> -> memref<125xi32, #tpu.memory_space<vmem>>
      %dma_start3A_39 = arith.constant 0 : i32
      %dma_start3A_40 = arith.constant 0 : i32
      %dma_start3A_41 = tpu.memref_slice %arg12[%dma_start3A_39, %dma_start3A_40] : memref<10240x16xf32, #tpu.memory_space<vmem_shared>> -> memref<10240x16xf32, #tpu.memory_space<vmem_shared>>
      tpu.enqueue_indirect_dma source(%dma_start3A_41 : memref<10240x16xf32, #tpu.memory_space<vmem_shared>>) target(%arg9 : memref<125x16xf32, #tpu.memory_space<vmem>>) offsets(%dma_start3A_38 : memref<125xi32, #tpu.memory_space<vmem>>) semaphore(%arg14 : memref<!tpu.dma_semaphore, #tpu.memory_space<semaphore_mem>>)
      %dma_wait3A = arith.constant 0 : i32
      %dma_wait3A_42 = arith.constant 0 : i32
      %dma_wait3A_43 = tpu.memref_slice %arg3[%dma_wait3A, %dma_wait3A_42] : memref<10240x16xf32, #tpu.memory_space<hbm>> -> memref<125x16xf32, #tpu.memory_space<hbm>>
      %dma_wait3A_44 = arith.constant 0 : i32
      %dma_wait3A_45 = arith.constant 0 : i32
      %dma_wait3A_46 = tpu.memref_slice %arg3[%dma_wait3A_44, %dma_wait3A_45] : memref<10240x16xf32, #tpu.memory_space<hbm>> -> memref<125x16xf32, #tpu.memory_space<hbm>>
      tpu.wait_dma2 semaphore(%arg13 : memref<!tpu.dma_semaphore, #tpu.memory_space<semaphore_mem>>) src(%dma_wait3A_46 : memref<125x16xf32, #tpu.memory_space<hbm>>) dst(%arg8 : memref<125x16xf32, #tpu.memory_space<vmem>>)
      "tpu.region"() ({
        %run_scoped3A_57 = tpu.sem_alloc : memref<!tpu.dma_semaphore, #tpu.memory_space<semaphore_mem>>
        %dma_start3A_58 = arith.constant 0 : i32
        %dma_start3A_59 = tpu.memref_slice %arg7[%mul3A_33, %dma_start3A_58] : memref<80x125xi32, #tpu.memory_space<vmem>> -> memref<1x125xi32, #tpu.memory_space<vmem>>
        %dma_start3A_60 = tpu.memref_squeeze %dma_start3A_59 : memref<1x125xi32, #tpu.memory_space<vmem>> -> memref<125xi32, #tpu.memory_space<vmem>>
        %dma_start3A_61 = arith.constant 0 : i32
        %dma_start3A_62 = arith.constant 0 : i32
        %dma_start3A_63 = tpu.memref_slice %arg11[%dma_start3A_61, %dma_start3A_62] : memref<10240x16xf32, #tpu.memory_space<vmem_shared>> -> memref<10240x16xf32, #tpu.memory_space<vmem_shared>>
        tpu.enqueue_indirect_dma source(%arg8 : memref<125x16xf32, #tpu.memory_space<vmem>>) target(%dma_start3A_63 : memref<10240x16xf32, #tpu.memory_space<vmem_shared>>) offsets(%dma_start3A_60 : memref<125xi32, #tpu.memory_space<vmem>>) semaphore(%run_scoped3A_57 : memref<!tpu.dma_semaphore, #tpu.memory_space<semaphore_mem>>) {add = true}
        %dma_wait3A_64 = arith.constant 0 : i32
        %dma_wait3A_65 = tpu.memref_slice %arg7[%mul3A_33, %dma_wait3A_64] : memref<80x125xi32, #tpu.memory_space<vmem>> -> memref<1x125xi32, #tpu.memory_space<vmem>>
        %dma_wait3A_66 = tpu.memref_squeeze %dma_wait3A_65 : memref<1x125xi32, #tpu.memory_space<vmem>> -> memref<125xi32, #tpu.memory_space<vmem>>
        %dma_wait3A_67 = arith.constant 0 : i32
        %dma_wait3A_68 = arith.constant 0 : i32
        %dma_wait3A_69 = tpu.memref_slice %arg11[%dma_wait3A_67, %dma_wait3A_68] : memref<10240x16xf32, #tpu.memory_space<vmem_shared>> -> memref<10240x16xf32, #tpu.memory_space<vmem_shared>>
        tpu.wait_indirect_dma semaphore(%run_scoped3A_57 : memref<!tpu.dma_semaphore, #tpu.memory_space<semaphore_mem>>) src(%arg8 : memref<125x16xf32, #tpu.memory_space<vmem>>) dst(%dma_wait3A_69 : memref<10240x16xf32, #tpu.memory_space<vmem_shared>>)
        tpu.yield
      }) : () -> ()
      %lt3A = arith.constant 39 : i32
      %lt3A_47 = arith.cmpi slt, %scan3A_31, %lt3A : i32
      %convert_element_type3A = arith.extui %lt3A_47 : i1 to i32
      %cond3A = arith.constant 0 : i32
      %cond3A_48 = arith.cmpi ne, %convert_element_type3A, %cond3A : i32
      scf.if %cond3A_48 {
        %add3A_57 = arith.constant 2 : i32
        %add3A_58 = arith.addi %mul3A_33, %add3A_57 : i32
        %dma_start3A_59 = arith.constant 0 : i32
        %dma_start3A_60 = tpu.memref_slice %arg6[%add3A_58, %dma_start3A_59] : memref<80x125xi32, #tpu.memory_space<vmem>> -> memref<1x125xi32, #tpu.memory_space<vmem>>
        %dma_start3A_61 = tpu.memref_squeeze %dma_start3A_60 : memref<1x125xi32, #tpu.memory_space<vmem>> -> memref<125xi32, #tpu.memory_space<vmem>>
        %dma_start3A_62 = arith.constant 0 : i32
        %dma_start3A_63 = arith.constant 0 : i32
        %dma_start3A_64 = tpu.memref_slice %arg12[%dma_start3A_62, %dma_start3A_63] : memref<10240x16xf32, #tpu.memory_space<vmem_shared>> -> memref<10240x16xf32, #tpu.memory_space<vmem_shared>>
        tpu.enqueue_indirect_dma source(%dma_start3A_64 : memref<10240x16xf32, #tpu.memory_space<vmem_shared>>) target(%arg8 : memref<125x16xf32, #tpu.memory_space<vmem>>) offsets(%dma_start3A_61 : memref<125xi32, #tpu.memory_space<vmem>>) semaphore(%arg13 : memref<!tpu.dma_semaphore, #tpu.memory_space<semaphore_mem>>)
      } else {
      }
      %dma_wait3A_49 = arith.constant 0 : i32
      %dma_wait3A_50 = arith.constant 0 : i32
      %dma_wait3A_51 = tpu.memref_slice %arg3[%dma_wait3A_49, %dma_wait3A_50] : memref<10240x16xf32, #tpu.memory_space<hbm>> -> memref<125x16xf32, #tpu.memory_space<hbm>>
      %dma_wait3A_52 = arith.constant 0 : i32
      %dma_wait3A_53 = arith.constant 0 : i32
      %dma_wait3A_54 = tpu.memref_slice %arg3[%dma_wait3A_52, %dma_wait3A_53] : memref<10240x16xf32, #tpu.memory_space<hbm>> -> memref<125x16xf32, #tpu.memory_space<hbm>>
      tpu.wait_dma2 semaphore(%arg14 : memref<!tpu.dma_semaphore, #tpu.memory_space<semaphore_mem>>) src(%dma_wait3A_54 : memref<125x16xf32, #tpu.memory_space<hbm>>) dst(%arg9 : memref<125x16xf32, #tpu.memory_space<vmem>>)
      %add3A_55 = arith.constant 1 : i32
      %add3A_56 = arith.addi %mul3A_33, %add3A_55 : i32
      "tpu.region"() ({
        %run_scoped3A_57 = tpu.sem_alloc : memref<!tpu.dma_semaphore, #tpu.memory_space<semaphore_mem>>
        %dma_start3A_58 = arith.constant 0 : i32
        %dma_start3A_59 = tpu.memref_slice %arg7[%add3A_56, %dma_start3A_58] : memref<80x125xi32, #tpu.memory_space<vmem>> -> memref<1x125xi32, #tpu.memory_space<vmem>>
        %dma_start3A_60 = tpu.memref_squeeze %dma_start3A_59 : memref<1x125xi32, #tpu.memory_space<vmem>> -> memref<125xi32, #tpu.memory_space<vmem>>
        %dma_start3A_61 = arith.constant 0 : i32
        %dma_start3A_62 = arith.constant 0 : i32
        %dma_start3A_63 = tpu.memref_slice %arg11[%dma_start3A_61, %dma_start3A_62] : memref<10240x16xf32, #tpu.memory_space<vmem_shared>> -> memref<10240x16xf32, #tpu.memory_space<vmem_shared>>
        tpu.enqueue_indirect_dma source(%arg9 : memref<125x16xf32, #tpu.memory_space<vmem>>) target(%dma_start3A_63 : memref<10240x16xf32, #tpu.memory_space<vmem_shared>>) offsets(%dma_start3A_60 : memref<125xi32, #tpu.memory_space<vmem>>) semaphore(%run_scoped3A_57 : memref<!tpu.dma_semaphore, #tpu.memory_space<semaphore_mem>>) {add = true}
        %dma_wait3A_64 = arith.constant 0 : i32
        %dma_wait3A_65 = tpu.memref_slice %arg7[%add3A_56, %dma_wait3A_64] : memref<80x125xi32, #tpu.memory_space<vmem>> -> memref<1x125xi32, #tpu.memory_space<vmem>>
        %dma_wait3A_66 = tpu.memref_squeeze %dma_wait3A_65 : memref<1x125xi32, #tpu.memory_space<vmem>> -> memref<125xi32, #tpu.memory_space<vmem>>
        %dma_wait3A_67 = arith.constant 0 : i32
        %dma_wait3A_68 = arith.constant 0 : i32
        %dma_wait3A_69 = tpu.memref_slice %arg11[%dma_wait3A_67, %dma_wait3A_68] : memref<10240x16xf32, #tpu.memory_space<vmem_shared>> -> memref<10240x16xf32, #tpu.memory_space<vmem_shared>>
        tpu.wait_indirect_dma semaphore(%run_scoped3A_57 : memref<!tpu.dma_semaphore, #tpu.memory_space<semaphore_mem>>) src(%arg9 : memref<125x16xf32, #tpu.memory_space<vmem>>) dst(%dma_wait3A_69 : memref<10240x16xf32, #tpu.memory_space<vmem_shared>>)
        tpu.yield
      }) : () -> ()
    }
    %scan3A_22 = arith.constant 40 : i32
    %barrier3A_23 = arith.constant 0 : index
    tpu.barrier barrier_id(%barrier3A_23)
    %mul3A_24 = arith.constant 640 : i32
    %mul3A_25 = arith.muli %arg1, %mul3A_24 : i32
    %mul3A_26 = arith.constant 10240 : i32
    %mul3A_27 = arith.muli %arg0, %mul3A_26 : i32
    %mul3A_28 = arith.constant 640 : i32
    %mul3A_29 = arith.muli %arg1, %mul3A_28 : i32
    %add3A_30 = arith.addi %mul3A_27, %mul3A_29 : i32
    "tpu.region"() ({
      %run_scoped3A_31 = tpu.sem_alloc : memref<!tpu.dma_semaphore, #tpu.memory_space<semaphore_mem>>
      %dma_start3A_32 = arith.constant 0 : i32
      %dma_start3A_33 = tpu.memref_slice %arg5[%add3A_30, %dma_start3A_32] : memref<20480x16xf32, #tpu.memory_space<hbm>> -> memref<640x16xf32, #tpu.memory_space<hbm>>
      %dma_start3A_34 = arith.constant 0 : i32
      %dma_start3A_35 = tpu.memref_slice %arg11[%mul3A_25, %dma_start3A_34] : memref<10240x16xf32, #tpu.memory_space<vmem_shared>> -> memref<640x16xf32, #tpu.memory_space<vmem_shared>>
      tpu.enqueue_dma source(%dma_start3A_35 : memref<640x16xf32, #tpu.memory_space<vmem_shared>>) target(%dma_start3A_33 : memref<640x16xf32, #tpu.memory_space<hbm>>) target_semaphore(%run_scoped3A_31 : memref<!tpu.dma_semaphore, #tpu.memory_space<semaphore_mem>>)
      %dma_wait3A = arith.constant 0 : i32
      %dma_wait3A_36 = tpu.memref_slice %arg5[%add3A_30, %dma_wait3A] : memref<20480x16xf32, #tpu.memory_space<hbm>> -> memref<640x16xf32, #tpu.memory_space<hbm>>
      %dma_wait3A_37 = arith.constant 0 : i32
      %dma_wait3A_38 = tpu.memref_slice %arg11[%mul3A_25, %dma_wait3A_37] : memref<10240x16xf32, #tpu.memory_space<vmem_shared>> -> memref<640x16xf32, #tpu.memory_space<vmem_shared>>
      tpu.wait_dma2 semaphore(%run_scoped3A_31 : memref<!tpu.dma_semaphore, #tpu.memory_space<semaphore_mem>>) src(%dma_wait3A_38 : memref<640x16xf32, #tpu.memory_space<vmem_shared>>) dst(%dma_wait3A_36 : memref<640x16xf32, #tpu.memory_space<hbm>>)
      tpu.yield
    }) : () -> ()
    return
  }
}

#map = affine_map<(d0, d1) -> (0, 0, 0, 0)>
#map1 = affine_map<(d0, d1) -> (0, 0)>
module attributes {stable_mosaic.version = 14 : i64} {
  func.func @_edge_kernel(%arg0: i32, %arg1: i32, %arg2: memref<2x32x80x125xi32, #tpu.memory_space<hbm>>, %arg3: memref<10240x16xf32, #tpu.memory_space<hbm>>, %arg4: memref<128x16xf32, #tpu.memory_space<hbm>>, %arg5: memref<20480x16xf32, #tpu.memory_space<hbm>>, %arg6: memref<80x125xi32, #tpu.memory_space<vmem>>, %arg7: memref<80x125xi32, #tpu.memory_space<vmem>>, %arg8: memref<125x16xf32, #tpu.memory_space<vmem>>, %arg9: memref<125x16xf32, #tpu.memory_space<vmem>>, %arg10: memref<128x16xf32, #tpu.memory_space<vmem>>, %arg11: memref<10240x16xf32, #tpu.memory_space<vmem_shared>>, %arg12: memref<10240x16xf32, #tpu.memory_space<vmem_shared>>, %arg13: memref<!tpu.dma_semaphore, #tpu.memory_space<semaphore_mem>>, %arg14: memref<!tpu.dma_semaphore, #tpu.memory_space<semaphore_mem>>) attributes {dimension_semantics = [#tpu.dimension_semantics<core_parallel>, #tpu.dimension_semantics<subcore_parallel>], iteration_bounds = array<i64: 2, 16>, scalar_prefetch = 0 : i64, scratch_operands = 9 : i64, tpu.core_type = #tpu.core_type<sc_vector_subcore>, window_params = [{transform_indices = #map}, {transform_indices = #map1}, {transform_indices = #map1}, {transform_indices = #map1}]} {
    %mul3A = arith.constant 2 : i32
    %mul3A_0 = arith.muli %arg1, %mul3A : i32
    %add3A = arith.addi %mul3A_0, %arg0 : i32
    %run_scoped3A = arith.constant 0 : i32
    "tpu.region"() ({
      %run_scoped3A_31 = tpu.sem_alloc : memref<!tpu.dma_semaphore, #tpu.memory_space<semaphore_mem>>
      %dma_start3A_32 = arith.constant 0 : i32
      %dma_start3A_33 = arith.constant 0 : i32
      %dma_start3A_34 = tpu.memref_slice %arg2[%run_scoped3A, %add3A, %dma_start3A_32, %dma_start3A_33] : memref<2x32x80x125xi32, #tpu.memory_space<hbm>> -> memref<1x1x80x125xi32, #tpu.memory_space<hbm>>
      %dma_start3A_35 = tpu.memref_squeeze %dma_start3A_34 : memref<1x1x80x125xi32, #tpu.memory_space<hbm>> -> memref<80x125xi32, #tpu.memory_space<hbm>>
      %dma_start3A_36 = arith.constant 0 : i32
      %dma_start3A_37 = arith.constant 0 : i32
      %dma_start3A_38 = tpu.memref_slice %arg2[%run_scoped3A, %add3A, %dma_start3A_36, %dma_start3A_37] : memref<2x32x80x125xi32, #tpu.memory_space<hbm>> -> memref<1x1x80x125xi32, #tpu.memory_space<hbm>>
      %dma_start3A_39 = tpu.memref_squeeze %dma_start3A_38 : memref<1x1x80x125xi32, #tpu.memory_space<hbm>> -> memref<80x125xi32, #tpu.memory_space<hbm>>
      tpu.enqueue_dma source(%dma_start3A_39 : memref<80x125xi32, #tpu.memory_space<hbm>>) target(%arg6 : memref<80x125xi32, #tpu.memory_space<vmem>>) target_semaphore(%run_scoped3A_31 : memref<!tpu.dma_semaphore, #tpu.memory_space<semaphore_mem>>)
      %dma_wait3A = arith.constant 0 : i32
      %dma_wait3A_40 = arith.constant 0 : i32
      %dma_wait3A_41 = tpu.memref_slice %arg2[%run_scoped3A, %add3A, %dma_wait3A, %dma_wait3A_40] : memref<2x32x80x125xi32, #tpu.memory_space<hbm>> -> memref<1x1x80x125xi32, #tpu.memory_space<hbm>>
      %dma_wait3A_42 = tpu.memref_squeeze %dma_wait3A_41 : memref<1x1x80x125xi32, #tpu.memory_space<hbm>> -> memref<80x125xi32, #tpu.memory_space<hbm>>
      %dma_wait3A_43 = arith.constant 0 : i32
      %dma_wait3A_44 = arith.constant 0 : i32
      %dma_wait3A_45 = tpu.memref_slice %arg2[%run_scoped3A, %add3A, %dma_wait3A_43, %dma_wait3A_44] : memref<2x32x80x125xi32, #tpu.memory_space<hbm>> -> memref<1x1x80x125xi32, #tpu.memory_space<hbm>>
      %dma_wait3A_46 = tpu.memref_squeeze %dma_wait3A_45 : memref<1x1x80x125xi32, #tpu.memory_space<hbm>> -> memref<80x125xi32, #tpu.memory_space<hbm>>
      tpu.wait_dma2 semaphore(%run_scoped3A_31 : memref<!tpu.dma_semaphore, #tpu.memory_space<semaphore_mem>>) src(%dma_wait3A_46 : memref<80x125xi32, #tpu.memory_space<hbm>>) dst(%arg6 : memref<80x125xi32, #tpu.memory_space<vmem>>)
      tpu.yield
    }) : () -> ()
    %run_scoped3A_1 = arith.constant 1 : i32
    "tpu.region"() ({
      %run_scoped3A_31 = tpu.sem_alloc : memref<!tpu.dma_semaphore, #tpu.memory_space<semaphore_mem>>
      %dma_start3A_32 = arith.constant 0 : i32
      %dma_start3A_33 = arith.constant 0 : i32
      %dma_start3A_34 = tpu.memref_slice %arg2[%run_scoped3A_1, %add3A, %dma_start3A_32, %dma_start3A_33] : memref<2x32x80x125xi32, #tpu.memory_space<hbm>> -> memref<1x1x80x125xi32, #tpu.memory_space<hbm>>
      %dma_start3A_35 = tpu.memref_squeeze %dma_start3A_34 : memref<1x1x80x125xi32, #tpu.memory_space<hbm>> -> memref<80x125xi32, #tpu.memory_space<hbm>>
      %dma_start3A_36 = arith.constant 0 : i32
      %dma_start3A_37 = arith.constant 0 : i32
      %dma_start3A_38 = tpu.memref_slice %arg2[%run_scoped3A_1, %add3A, %dma_start3A_36, %dma_start3A_37] : memref<2x32x80x125xi32, #tpu.memory_space<hbm>> -> memref<1x1x80x125xi32, #tpu.memory_space<hbm>>
      %dma_start3A_39 = tpu.memref_squeeze %dma_start3A_38 : memref<1x1x80x125xi32, #tpu.memory_space<hbm>> -> memref<80x125xi32, #tpu.memory_space<hbm>>
      tpu.enqueue_dma source(%dma_start3A_39 : memref<80x125xi32, #tpu.memory_space<hbm>>) target(%arg7 : memref<80x125xi32, #tpu.memory_space<vmem>>) target_semaphore(%run_scoped3A_31 : memref<!tpu.dma_semaphore, #tpu.memory_space<semaphore_mem>>)
      %dma_wait3A = arith.constant 0 : i32
      %dma_wait3A_40 = arith.constant 0 : i32
      %dma_wait3A_41 = tpu.memref_slice %arg2[%run_scoped3A_1, %add3A, %dma_wait3A, %dma_wait3A_40] : memref<2x32x80x125xi32, #tpu.memory_space<hbm>> -> memref<1x1x80x125xi32, #tpu.memory_space<hbm>>
      %dma_wait3A_42 = tpu.memref_squeeze %dma_wait3A_41 : memref<1x1x80x125xi32, #tpu.memory_space<hbm>> -> memref<80x125xi32, #tpu.memory_space<hbm>>
      %dma_wait3A_43 = arith.constant 0 : i32
      %dma_wait3A_44 = arith.constant 0 : i32
      %dma_wait3A_45 = tpu.memref_slice %arg2[%run_scoped3A_1, %add3A, %dma_wait3A_43, %dma_wait3A_44] : memref<2x32x80x125xi32, #tpu.memory_space<hbm>> -> memref<1x1x80x125xi32, #tpu.memory_space<hbm>>
      %dma_wait3A_46 = tpu.memref_squeeze %dma_wait3A_45 : memref<1x1x80x125xi32, #tpu.memory_space<hbm>> -> memref<80x125xi32, #tpu.memory_space<hbm>>
      tpu.wait_dma2 semaphore(%run_scoped3A_31 : memref<!tpu.dma_semaphore, #tpu.memory_space<semaphore_mem>>) src(%dma_wait3A_46 : memref<80x125xi32, #tpu.memory_space<hbm>>) dst(%arg7 : memref<80x125xi32, #tpu.memory_space<vmem>>)
      tpu.yield
    }) : () -> ()
    "tpu.region"() ({
      %run_scoped3A_31 = tpu.sem_alloc : memref<!tpu.dma_semaphore, #tpu.memory_space<semaphore_mem>>
      tpu.enqueue_dma source(%arg4 : memref<128x16xf32, #tpu.memory_space<hbm>>) target(%arg10 : memref<128x16xf32, #tpu.memory_space<vmem>>) target_semaphore(%run_scoped3A_31 : memref<!tpu.dma_semaphore, #tpu.memory_space<semaphore_mem>>)
      tpu.wait_dma2 semaphore(%run_scoped3A_31 : memref<!tpu.dma_semaphore, #tpu.memory_space<semaphore_mem>>) src(%arg4 : memref<128x16xf32, #tpu.memory_space<hbm>>) dst(%arg10 : memref<128x16xf32, #tpu.memory_space<vmem>>)
      tpu.yield
    }) : () -> ()
    %mul3A_2 = arith.constant 640 : i32
    %mul3A_3 = arith.muli %arg1, %mul3A_2 : i32
    %mul3A_4 = arith.constant 640 : i32
    %mul3A_5 = arith.muli %arg1, %mul3A_4 : i32
    "tpu.region"() ({
      %run_scoped3A_31 = tpu.sem_alloc : memref<!tpu.dma_semaphore, #tpu.memory_space<semaphore_mem>>
      %dma_start3A_32 = arith.constant 0 : i32
      %dma_start3A_33 = tpu.memref_slice %arg12[%mul3A_5, %dma_start3A_32] : memref<10240x16xf32, #tpu.memory_space<vmem_shared>> -> memref<640x16xf32, #tpu.memory_space<vmem_shared>>
      %dma_start3A_34 = arith.constant 0 : i32
      %dma_start3A_35 = tpu.memref_slice %arg3[%mul3A_3, %dma_start3A_34] : memref<10240x16xf32, #tpu.memory_space<hbm>> -> memref<640x16xf32, #tpu.memory_space<hbm>>
      tpu.enqueue_dma source(%dma_start3A_35 : memref<640x16xf32, #tpu.memory_space<hbm>>) target(%dma_start3A_33 : memref<640x16xf32, #tpu.memory_space<vmem_shared>>) target_semaphore(%run_scoped3A_31 : memref<!tpu.dma_semaphore, #tpu.memory_space<semaphore_mem>>)
      %dma_wait3A = arith.constant 0 : i32
      %dma_wait3A_36 = tpu.memref_slice %arg12[%mul3A_5, %dma_wait3A] : memref<10240x16xf32, #tpu.memory_space<vmem_shared>> -> memref<640x16xf32, #tpu.memory_space<vmem_shared>>
      %dma_wait3A_37 = arith.constant 0 : i32
      %dma_wait3A_38 = tpu.memref_slice %arg3[%mul3A_3, %dma_wait3A_37] : memref<10240x16xf32, #tpu.memory_space<hbm>> -> memref<640x16xf32, #tpu.memory_space<hbm>>
      tpu.wait_dma2 semaphore(%run_scoped3A_31 : memref<!tpu.dma_semaphore, #tpu.memory_space<semaphore_mem>>) src(%dma_wait3A_38 : memref<640x16xf32, #tpu.memory_space<hbm>>) dst(%dma_wait3A_36 : memref<640x16xf32, #tpu.memory_space<vmem_shared>>)
      tpu.yield
    }) : () -> ()
    %scan3A = arith.constant 0 : i32
    %scan3A_6 = arith.constant 0 : i32
    %scan3A_7 = arith.constant 5 : i32
    %scan3A_8 = arith.addi %scan3A_6, %scan3A_7 : i32
    %scan3A_9 = arith.constant 1 : i32
    scf.for %scan3A_31 = %scan3A_6 to %scan3A_8 step %scan3A_9  : i32 {
      %mul3A_32 = arith.constant 640 : i32
      %mul3A_33 = arith.muli %arg1, %mul3A_32 : i32
      %mul3A_34 = arith.constant 128 : i32
      %mul3A_35 = arith.muli %scan3A_31, %mul3A_34 : i32
      %add3A_36 = arith.addi %mul3A_33, %mul3A_35 : i32
      "tpu.region"() ({
        %run_scoped3A_37 = tpu.sem_alloc : memref<!tpu.dma_semaphore, #tpu.memory_space<semaphore_mem>>
        %dma_start3A_38 = arith.constant 0 : i32
        %dma_start3A_39 = tpu.memref_slice %arg11[%add3A_36, %dma_start3A_38] : memref<10240x16xf32, #tpu.memory_space<vmem_shared>> -> memref<128x16xf32, #tpu.memory_space<vmem_shared>>
        %dma_start3A_40 = arith.constant 0 : i32
        %dma_start3A_41 = tpu.memref_slice %arg11[%add3A_36, %dma_start3A_40] : memref<10240x16xf32, #tpu.memory_space<vmem_shared>> -> memref<128x16xf32, #tpu.memory_space<vmem_shared>>
        tpu.enqueue_dma source(%arg10 : memref<128x16xf32, #tpu.memory_space<vmem>>) target(%dma_start3A_41 : memref<128x16xf32, #tpu.memory_space<vmem_shared>>) target_semaphore(%run_scoped3A_37 : memref<!tpu.dma_semaphore, #tpu.memory_space<semaphore_mem>>)
        %dma_wait3A = arith.constant 0 : i32
        %dma_wait3A_42 = tpu.memref_slice %arg11[%add3A_36, %dma_wait3A] : memref<10240x16xf32, #tpu.memory_space<vmem_shared>> -> memref<128x16xf32, #tpu.memory_space<vmem_shared>>
        %dma_wait3A_43 = arith.constant 0 : i32
        %dma_wait3A_44 = tpu.memref_slice %arg11[%add3A_36, %dma_wait3A_43] : memref<10240x16xf32, #tpu.memory_space<vmem_shared>> -> memref<128x16xf32, #tpu.memory_space<vmem_shared>>
        tpu.wait_dma2 semaphore(%run_scoped3A_37 : memref<!tpu.dma_semaphore, #tpu.memory_space<semaphore_mem>>) src(%arg10 : memref<128x16xf32, #tpu.memory_space<vmem>>) dst(%dma_wait3A_44 : memref<128x16xf32, #tpu.memory_space<vmem_shared>>)
        tpu.yield
      }) : () -> ()
    }
    %scan3A_10 = arith.constant 5 : i32
    %barrier3A = arith.constant 0 : index
    tpu.barrier barrier_id(%barrier3A)
    %dma_start3A = arith.constant 0 : i32
    %dma_start3A_11 = arith.constant 0 : i32
    %dma_start3A_12 = tpu.memref_slice %arg6[%dma_start3A, %dma_start3A_11] : memref<80x125xi32, #tpu.memory_space<vmem>> -> memref<1x125xi32, #tpu.memory_space<vmem>>
    %dma_start3A_13 = tpu.memref_squeeze %dma_start3A_12 : memref<1x125xi32, #tpu.memory_space<vmem>> -> memref<125xi32, #tpu.memory_space<vmem>>
    %dma_start3A_14 = arith.constant 0 : i32
    %dma_start3A_15 = arith.constant 0 : i32
    %dma_start3A_16 = tpu.memref_slice %arg12[%dma_start3A_14, %dma_start3A_15] : memref<10240x16xf32, #tpu.memory_space<vmem_shared>> -> memref<10240x16xf32, #tpu.memory_space<vmem_shared>>
    tpu.enqueue_indirect_dma source(%dma_start3A_16 : memref<10240x16xf32, #tpu.memory_space<vmem_shared>>) target(%arg8 : memref<125x16xf32, #tpu.memory_space<vmem>>) offsets(%dma_start3A_13 : memref<125xi32, #tpu.memory_space<vmem>>) semaphore(%arg13 : memref<!tpu.dma_semaphore, #tpu.memory_space<semaphore_mem>>)
    %scan3A_17 = arith.constant 0 : i32
    %scan3A_18 = arith.constant 0 : i32
    %scan3A_19 = arith.constant 40 : i32
    %scan3A_20 = arith.addi %scan3A_18, %scan3A_19 : i32
    %scan3A_21 = arith.constant 1 : i32
    scf.for %scan3A_31 = %scan3A_18 to %scan3A_20 step %scan3A_21  : i32 {
      %mul3A_32 = arith.constant 2 : i32
      %mul3A_33 = arith.muli %mul3A_32, %scan3A_31 : i32
      %add3A_34 = arith.constant 1 : i32
      %add3A_35 = arith.addi %mul3A_33, %add3A_34 : i32
      %dma_start3A_36 = arith.constant 0 : i32
      %dma_start3A_37 = tpu.memref_slice %arg6[%add3A_35, %dma_start3A_36] : memref<80x125xi32, #tpu.memory_space<vmem>> -> memref<1x125xi32, #tpu.memory_space<vmem>>
      %dma_start3A_38 = tpu.memref_squeeze %dma_start3A_37 : memref<1x125xi32, #tpu.memory_space<vmem>> -> memref<125xi32, #tpu.memory_space<vmem>>
      %dma_start3A_39 = arith.constant 0 : i32
      %dma_start3A_40 = arith.constant 0 : i32
      %dma_start3A_41 = tpu.memref_slice %arg12[%dma_start3A_39, %dma_start3A_40] : memref<10240x16xf32, #tpu.memory_space<vmem_shared>> -> memref<10240x16xf32, #tpu.memory_space<vmem_shared>>
      tpu.enqueue_indirect_dma source(%dma_start3A_41 : memref<10240x16xf32, #tpu.memory_space<vmem_shared>>) target(%arg9 : memref<125x16xf32, #tpu.memory_space<vmem>>) offsets(%dma_start3A_38 : memref<125xi32, #tpu.memory_space<vmem>>) semaphore(%arg14 : memref<!tpu.dma_semaphore, #tpu.memory_space<semaphore_mem>>)
      %dma_wait3A = arith.constant 0 : i32
      %dma_wait3A_42 = arith.constant 0 : i32
      %dma_wait3A_43 = tpu.memref_slice %arg3[%dma_wait3A, %dma_wait3A_42] : memref<10240x16xf32, #tpu.memory_space<hbm>> -> memref<125x16xf32, #tpu.memory_space<hbm>>
      %dma_wait3A_44 = arith.constant 0 : i32
      %dma_wait3A_45 = arith.constant 0 : i32
      %dma_wait3A_46 = tpu.memref_slice %arg3[%dma_wait3A_44, %dma_wait3A_45] : memref<10240x16xf32, #tpu.memory_space<hbm>> -> memref<125x16xf32, #tpu.memory_space<hbm>>
      tpu.wait_dma2 semaphore(%arg13 : memref<!tpu.dma_semaphore, #tpu.memory_space<semaphore_mem>>) src(%dma_wait3A_46 : memref<125x16xf32, #tpu.memory_space<hbm>>) dst(%arg8 : memref<125x16xf32, #tpu.memory_space<vmem>>)
      "tpu.region"() ({
        %run_scoped3A_57 = tpu.sem_alloc : memref<!tpu.dma_semaphore, #tpu.memory_space<semaphore_mem>>
        %dma_start3A_58 = arith.constant 0 : i32
        %dma_start3A_59 = tpu.memref_slice %arg7[%mul3A_33, %dma_start3A_58] : memref<80x125xi32, #tpu.memory_space<vmem>> -> memref<1x125xi32, #tpu.memory_space<vmem>>
        %dma_start3A_60 = tpu.memref_squeeze %dma_start3A_59 : memref<1x125xi32, #tpu.memory_space<vmem>> -> memref<125xi32, #tpu.memory_space<vmem>>
        %dma_start3A_61 = arith.constant 0 : i32
        %dma_start3A_62 = arith.constant 0 : i32
        %dma_start3A_63 = tpu.memref_slice %arg11[%dma_start3A_61, %dma_start3A_62] : memref<10240x16xf32, #tpu.memory_space<vmem_shared>> -> memref<10240x16xf32, #tpu.memory_space<vmem_shared>>
        tpu.enqueue_indirect_dma source(%arg8 : memref<125x16xf32, #tpu.memory_space<vmem>>) target(%dma_start3A_63 : memref<10240x16xf32, #tpu.memory_space<vmem_shared>>) offsets(%dma_start3A_60 : memref<125xi32, #tpu.memory_space<vmem>>) semaphore(%run_scoped3A_57 : memref<!tpu.dma_semaphore, #tpu.memory_space<semaphore_mem>>) {add = true}
        %dma_wait3A_64 = arith.constant 0 : i32
        %dma_wait3A_65 = tpu.memref_slice %arg7[%mul3A_33, %dma_wait3A_64] : memref<80x125xi32, #tpu.memory_space<vmem>> -> memref<1x125xi32, #tpu.memory_space<vmem>>
        %dma_wait3A_66 = tpu.memref_squeeze %dma_wait3A_65 : memref<1x125xi32, #tpu.memory_space<vmem>> -> memref<125xi32, #tpu.memory_space<vmem>>
        %dma_wait3A_67 = arith.constant 0 : i32
        %dma_wait3A_68 = arith.constant 0 : i32
        %dma_wait3A_69 = tpu.memref_slice %arg11[%dma_wait3A_67, %dma_wait3A_68] : memref<10240x16xf32, #tpu.memory_space<vmem_shared>> -> memref<10240x16xf32, #tpu.memory_space<vmem_shared>>
        tpu.wait_indirect_dma semaphore(%run_scoped3A_57 : memref<!tpu.dma_semaphore, #tpu.memory_space<semaphore_mem>>) src(%arg8 : memref<125x16xf32, #tpu.memory_space<vmem>>) dst(%dma_wait3A_69 : memref<10240x16xf32, #tpu.memory_space<vmem_shared>>)
        tpu.yield
      }) : () -> ()
      %lt3A = arith.constant 39 : i32
      %lt3A_47 = arith.cmpi slt, %scan3A_31, %lt3A : i32
      %convert_element_type3A = arith.extui %lt3A_47 : i1 to i32
      %cond3A = arith.constant 0 : i32
      %cond3A_48 = arith.cmpi ne, %convert_element_type3A, %cond3A : i32
      scf.if %cond3A_48 {
        %add3A_57 = arith.constant 2 : i32
        %add3A_58 = arith.addi %mul3A_33, %add3A_57 : i32
        %dma_start3A_59 = arith.constant 0 : i32
        %dma_start3A_60 = tpu.memref_slice %arg6[%add3A_58, %dma_start3A_59] : memref<80x125xi32, #tpu.memory_space<vmem>> -> memref<1x125xi32, #tpu.memory_space<vmem>>
        %dma_start3A_61 = tpu.memref_squeeze %dma_start3A_60 : memref<1x125xi32, #tpu.memory_space<vmem>> -> memref<125xi32, #tpu.memory_space<vmem>>
        %dma_start3A_62 = arith.constant 0 : i32
        %dma_start3A_63 = arith.constant 0 : i32
        %dma_start3A_64 = tpu.memref_slice %arg12[%dma_start3A_62, %dma_start3A_63] : memref<10240x16xf32, #tpu.memory_space<vmem_shared>> -> memref<10240x16xf32, #tpu.memory_space<vmem_shared>>
        tpu.enqueue_indirect_dma source(%dma_start3A_64 : memref<10240x16xf32, #tpu.memory_space<vmem_shared>>) target(%arg8 : memref<125x16xf32, #tpu.memory_space<vmem>>) offsets(%dma_start3A_61 : memref<125xi32, #tpu.memory_space<vmem>>) semaphore(%arg13 : memref<!tpu.dma_semaphore, #tpu.memory_space<semaphore_mem>>)
      } else {
      }
      %dma_wait3A_49 = arith.constant 0 : i32
      %dma_wait3A_50 = arith.constant 0 : i32
      %dma_wait3A_51 = tpu.memref_slice %arg3[%dma_wait3A_49, %dma_wait3A_50] : memref<10240x16xf32, #tpu.memory_space<hbm>> -> memref<125x16xf32, #tpu.memory_space<hbm>>
      %dma_wait3A_52 = arith.constant 0 : i32
      %dma_wait3A_53 = arith.constant 0 : i32
      %dma_wait3A_54 = tpu.memref_slice %arg3[%dma_wait3A_52, %dma_wait3A_53] : memref<10240x16xf32, #tpu.memory_space<hbm>> -> memref<125x16xf32, #tpu.memory_space<hbm>>
      tpu.wait_dma2 semaphore(%arg14 : memref<!tpu.dma_semaphore, #tpu.memory_space<semaphore_mem>>) src(%dma_wait3A_54 : memref<125x16xf32, #tpu.memory_space<hbm>>) dst(%arg9 : memref<125x16xf32, #tpu.memory_space<vmem>>)
      %add3A_55 = arith.constant 1 : i32
      %add3A_56 = arith.addi %mul3A_33, %add3A_55 : i32
      "tpu.region"() ({
        %run_scoped3A_57 = tpu.sem_alloc : memref<!tpu.dma_semaphore, #tpu.memory_space<semaphore_mem>>
        %dma_start3A_58 = arith.constant 0 : i32
        %dma_start3A_59 = tpu.memref_slice %arg7[%add3A_56, %dma_start3A_58] : memref<80x125xi32, #tpu.memory_space<vmem>> -> memref<1x125xi32, #tpu.memory_space<vmem>>
        %dma_start3A_60 = tpu.memref_squeeze %dma_start3A_59 : memref<1x125xi32, #tpu.memory_space<vmem>> -> memref<125xi32, #tpu.memory_space<vmem>>
        %dma_start3A_61 = arith.constant 0 : i32
        %dma_start3A_62 = arith.constant 0 : i32
        %dma_start3A_63 = tpu.memref_slice %arg11[%dma_start3A_61, %dma_start3A_62] : memref<10240x16xf32, #tpu.memory_space<vmem_shared>> -> memref<10240x16xf32, #tpu.memory_space<vmem_shared>>
        tpu.enqueue_indirect_dma source(%arg9 : memref<125x16xf32, #tpu.memory_space<vmem>>) target(%dma_start3A_63 : memref<10240x16xf32, #tpu.memory_space<vmem_shared>>) offsets(%dma_start3A_60 : memref<125xi32, #tpu.memory_space<vmem>>) semaphore(%run_scoped3A_57 : memref<!tpu.dma_semaphore, #tpu.memory_space<semaphore_mem>>) {add = true}
        %dma_wait3A_64 = arith.constant 0 : i32
        %dma_wait3A_65 = tpu.memref_slice %arg7[%add3A_56, %dma_wait3A_64] : memref<80x125xi32, #tpu.memory_space<vmem>> -> memref<1x125xi32, #tpu.memory_space<vmem>>
        %dma_wait3A_66 = tpu.memref_squeeze %dma_wait3A_65 : memref<1x125xi32, #tpu.memory_space<vmem>> -> memref<125xi32, #tpu.memory_space<vmem>>
        %dma_wait3A_67 = arith.constant 0 : i32
        %dma_wait3A_68 = arith.constant 0 : i32
        %dma_wait3A_69 = tpu.memref_slice %arg11[%dma_wait3A_67, %dma_wait3A_68] : memref<10240x16xf32, #tpu.memory_space<vmem_shared>> -> memref<10240x16xf32, #tpu.memory_space<vmem_shared>>
        tpu.wait_indirect_dma semaphore(%run_scoped3A_57 : memref<!tpu.dma_semaphore, #tpu.memory_space<semaphore_mem>>) src(%arg9 : memref<125x16xf32, #tpu.memory_space<vmem>>) dst(%dma_wait3A_69 : memref<10240x16xf32, #tpu.memory_space<vmem_shared>>)
        tpu.yield
      }) : () -> ()
    }
    %scan3A_22 = arith.constant 40 : i32
    %barrier3A_23 = arith.constant 0 : index
    tpu.barrier barrier_id(%barrier3A_23)
    %mul3A_24 = arith.constant 640 : i32
    %mul3A_25 = arith.muli %arg1, %mul3A_24 : i32
    %mul3A_26 = arith.constant 10240 : i32
    %mul3A_27 = arith.muli %arg0, %mul3A_26 : i32
    %mul3A_28 = arith.constant 640 : i32
    %mul3A_29 = arith.muli %arg1, %mul3A_28 : i32
    %add3A_30 = arith.addi %mul3A_27, %mul3A_29 : i32
    "tpu.region"() ({
      %run_scoped3A_31 = tpu.sem_alloc : memref<!tpu.dma_semaphore, #tpu.memory_space<semaphore_mem>>
      %dma_start3A_32 = arith.constant 0 : i32
      %dma_start3A_33 = tpu.memref_slice %arg5[%add3A_30, %dma_start3A_32] : memref<20480x16xf32, #tpu.memory_space<hbm>> -> memref<640x16xf32, #tpu.memory_space<hbm>>
      %dma_start3A_34 = arith.constant 0 : i32
      %dma_start3A_35 = tpu.memref_slice %arg11[%mul3A_25, %dma_start3A_34] : memref<10240x16xf32, #tpu.memory_space<vmem_shared>> -> memref<640x16xf32, #tpu.memory_space<vmem_shared>>
      tpu.enqueue_dma source(%dma_start3A_35 : memref<640x16xf32, #tpu.memory_space<vmem_shared>>) target(%dma_start3A_33 : memref<640x16xf32, #tpu.memory_space<hbm>>) target_semaphore(%run_scoped3A_31 : memref<!tpu.dma_semaphore, #tpu.memory_space<semaphore_mem>>)
      %dma_wait3A = arith.constant 0 : i32
      %dma_wait3A_36 = tpu.memref_slice %arg5[%add3A_30, %dma_wait3A] : memref<20480x16xf32, #tpu.memory_space<hbm>> -> memref<640x16xf32, #tpu.memory_space<hbm>>
      %dma_wait3A_37 = arith.constant 0 : i32
      %dma_wait3A_38 = tpu.memref_slice %arg11[%mul3A_25, %dma_wait3A_37] : memref<10240x16xf32, #tpu.memory_space<vmem_shared>> -> memref<640x16xf32, #tpu.memory_space<vmem_shared>>
      tpu.wait_dma2 semaphore(%run_scoped3A_31 : memref<!tpu.dma_semaphore, #tpu.memory_space<semaphore_mem>>) src(%dma_wait3A_38 : memref<640x16xf32, #tpu.memory_space<vmem_shared>>) dst(%dma_wait3A_36 : memref<640x16xf32, #tpu.memory_space<hbm>>)
      tpu.yield
    }) : () -> ()
    return
  }
}

module attributes {stable_mosaic.version = 14 : i64} {
  func.func @_tc1_body(%arg0: i32, %arg1: memref<2x128x128xf32, #tpu.memory_space<vmem>>, %arg2: memref<128x1024xf32, #tpu.memory_space<vmem>>, %arg3: memref<1024x128xf32, #tpu.memory_space<vmem>>, %arg4: memref<128x128xf32, #tpu.memory_space<vmem>>) attributes {dimension_semantics = [#tpu.dimension_semantics<arbitrary>], iteration_bounds = array<i64: 10>, scalar_prefetch = 0 : i64, scratch_operands = 0 : i64, tpu.core_type = #tpu.core_type<tc>, window_params = [{transform_indices = @transform_0, window_bounds = array<i64: 2, 128, 128>}, {transform_indices = @transform_1, window_bounds = array<i64: 128, 1024>}, {pipeline_mode = #tpu.pipeline_mode<synchronous>, transform_indices = @transform_2, window_bounds = array<i64: 1024, 128>}, {transform_indices = @transform_3, window_bounds = array<i64: 128, 128>}]} {
    %get3A = arith.constant 0 : index
    %get3A_0 = arith.constant 0 : index
    %get3A_1 = vector.load %arg2[%get3A, %get3A_0] : memref<128x1024xf32, #tpu.memory_space<vmem>>, vector<128x1024xf32>
    %get3A_2 = arith.constant 0 : index
    %get3A_3 = arith.constant 0 : index
    %get3A_4 = vector.load %arg3[%get3A_2, %get3A_3] : memref<1024x128xf32, #tpu.memory_space<vmem>>, vector<1024x128xf32>
    %dot_general3A = arith.constant dense<0.000000e+00> : vector<128x128xf32>
    %dot_general3A_5 = tpu.matmul %get3A_1, %get3A_4, %dot_general3A {dimension_numbers = #tpu.dot_dimension_numbers<[1], [0], [0], [1], [0, 0, 1, 1], [], []>, transpose_lhs_hint = false} : vector<128x1024xf32>, vector<1024x128xf32>, vector<128x128xf32> -> vector<128x128xf32>
    %mul3A = arith.constant 128 : i32
    %mul3A_6 = arith.muli %arg0, %mul3A : i32
    %iota3A = tpu.iota {dimensions = array<i32: 0>} : vector<128x128xi32>
    %add3A = vector.broadcast %mul3A_6 : i32 to vector<128x128xi32>
    %add3A_7 = arith.addi %add3A, %iota3A : vector<128x128xi32>
    %iota3A_8 = tpu.iota {dimensions = array<i32: 1>} : vector<128x128xi32>
    %jit3A = arith.constant 16 : i32
    %div3A = vector.broadcast %jit3A : i32 to vector<128x128xi32>
    %div3A_9 = arith.divsi %iota3A_8, %div3A : vector<128x128xi32>
    %sign3A = arith.constant 0 : i32
    %sign3A_10 = vector.broadcast %sign3A : i32 to vector<128x128xi32>
    %sign3A_11 = arith.cmpi sgt, %iota3A_8, %sign3A_10 : vector<128x128xi32>
    %sign3A_12 = arith.extui %sign3A_11 : vector<128x128xi1> to vector<128x128xi32>
    %sign3A_13 = arith.constant 0 : i32
    %sign3A_14 = vector.broadcast %sign3A_13 : i32 to vector<128x128xi32>
    %sign3A_15 = arith.cmpi slt, %iota3A_8, %sign3A_14 : vector<128x128xi32>
    %sign3A_16 = arith.extui %sign3A_15 : vector<128x128xi1> to vector<128x128xi32>
    %sign3A_17 = arith.subi %sign3A_12, %sign3A_16 : vector<128x128xi32>
    %sign3A_18 = arith.constant 0 : i32
    %sign3A_19 = arith.cmpi sgt, %jit3A, %sign3A_18 : i32
    %sign3A_20 = arith.extui %sign3A_19 : i1 to i32
    %sign3A_21 = arith.constant 0 : i32
    %sign3A_22 = arith.cmpi slt, %jit3A, %sign3A_21 : i32
    %sign3A_23 = arith.extui %sign3A_22 : i1 to i32
    %sign3A_24 = arith.subi %sign3A_20, %sign3A_23 : i32
    %ne3A = vector.broadcast %sign3A_24 : i32 to vector<128x128xi32>
    %ne3A_25 = arith.cmpi ne, %sign3A_17, %ne3A : vector<128x128xi32>
    %rem3A = vector.broadcast %jit3A : i32 to vector<128x128xi32>
    %rem3A_26 = arith.remsi %iota3A_8, %rem3A : vector<128x128xi32>
    %ne3A_27 = arith.constant 0 : i32
    %ne3A_28 = vector.broadcast %ne3A_27 : i32 to vector<128x128xi32>
    %ne3A_29 = arith.cmpi ne, %rem3A_26, %ne3A_28 : vector<128x128xi32>
    %and3A = arith.andi %ne3A_25, %ne3A_29 : vector<128x128xi1>
    %sub3A = arith.constant 1 : i32
    %sub3A_30 = vector.broadcast %sub3A : i32 to vector<128x128xi32>
    %sub3A_31 = arith.subi %div3A_9, %sub3A_30 : vector<128x128xi32>
    %select_n3A = arith.select %and3A, %sub3A_31, %div3A_9 : vector<128x128xi1>, vector<128x128xi32>
    %mul3A_32 = arith.constant 8 : i32
    %mul3A_33 = vector.broadcast %mul3A_32 : i32 to vector<128x128xi32>
    %mul3A_34 = arith.muli %add3A_7, %mul3A_33 : vector<128x128xi32>
    %add3A_35 = arith.addi %mul3A_34, %select_n3A : vector<128x128xi32>
    %lt3A = arith.constant 10000 : i32
    %lt3A_36 = vector.broadcast %lt3A : i32 to vector<128x128xi32>
    %lt3A_37 = arith.cmpi slt, %add3A_35, %lt3A_36 : vector<128x128xi32>
    %get3A_38 = arith.constant 0 : index
    %get3A_39 = arith.constant 0 : index
    %get3A_40 = arith.constant 0 : index
    %get3A_41 = vector.load %arg1[%get3A_38, %get3A_39, %get3A_40] : memref<2x128x128xf32, #tpu.memory_space<vmem>>, vector<2x128x128xf32>
    %slice3A = vector.extract_strided_slice %get3A_41 {offsets = [0, 0, 0], sizes = [1, 128, 128], strides = [1, 1, 1]} : vector<2x128x128xf32> to vector<1x128x128xf32>
    %squeeze3A = vector.shape_cast %slice3A : vector<1x128x128xf32> to vector<128x128xf32>
    %slice3A_42 = vector.extract_strided_slice %get3A_41 {offsets = [1, 0, 0], sizes = [1, 128, 128], strides = [1, 1, 1]} : vector<2x128x128xf32> to vector<1x128x128xf32>
    %squeeze3A_43 = vector.shape_cast %slice3A_42 : vector<1x128x128xf32> to vector<128x128xf32>
    %add3A_44 = arith.addf %squeeze3A, %squeeze3A_43 : vector<128x128xf32>
    %add3A_45 = arith.constant 1.000000e+00 : f32
    %add3A_46 = vector.broadcast %add3A_45 : f32 to vector<128x128xf32>
    %add3A_47 = arith.addf %add3A_44, %add3A_46 : vector<128x128xf32>
    %rsqrt3A = math.rsqrt %add3A_47 : vector<128x128xf32>
    %mul3A_48 = arith.mulf %dot_general3A_5, %rsqrt3A : vector<128x128xf32>
    %jit3A_49 = arith.constant 0.000000e+00 : f32
    %broadcast_in_dim3A = vector.broadcast %jit3A_49 : f32 to vector<128x128xf32>
    %select_n3A_50 = arith.select %lt3A_37, %mul3A_48, %broadcast_in_dim3A : vector<128x128xi1>, vector<128x128xf32>
    %swap3A = arith.constant 0 : index
    %swap3A_51 = arith.constant 0 : index
    %swap3A_52 = vector.load %arg4[%swap3A, %swap3A_51] : memref<128x128xf32, #tpu.memory_space<vmem>>, vector<128x128xf32>
    tpu.vector_store %arg4[%swap3A, %swap3A_51], %select_n3A_50 {strides = array<i32>} : memref<128x128xf32, #tpu.memory_space<vmem>>, vector<128x128xf32>,
    return
  }
  func.func @transform_0(%arg0: i32) -> (i32, i32, i32) {
    %c0_i32 = arith.constant 0 : i32
    %c0_i32_0 = arith.constant 0 : i32
    %c0_i32_1 = arith.constant 0 : i32
    return %c0_i32, %arg0, %c0_i32_0 : i32, i32, i32
  }
  func.func @transform_1(%arg0: i32) -> (i32, i32) {
    %c0_i32 = arith.constant 0 : i32
    %c0_i32_0 = arith.constant 0 : i32
    return %arg0, %c0_i32 : i32, i32
  }
  func.func @transform_2(%arg0: i32) -> (i32, i32) {
    %c0_i32 = arith.constant 0 : i32
    %c0_i32_0 = arith.constant 0 : i32
    %c0_i32_1 = arith.constant 0 : i32
    return %c0_i32, %c0_i32_0 : i32, i32
  }
  func.func @transform_3(%arg0: i32) -> (i32, i32) {
    %c0_i32 = arith.constant 0 : i32
    %c0_i32_0 = arith.constant 0 : i32
    return %arg0, %c0_i32 : i32, i32
  }
}

module attributes {stable_mosaic.version = 14 : i64} {
  func.func @_tc2_body(%arg0: i32, %arg1: memref<2x128x128xf32, #tpu.memory_space<vmem>>, %arg2: memref<2x128x128xf32, #tpu.memory_space<vmem>>, %arg3: memref<128x128xf32, #tpu.memory_space<vmem>>, %arg4: memref<1x128xf32, #tpu.memory_space<vmem>>, %arg5: memref<128x128xf32, #tpu.memory_space<vmem>>) attributes {dimension_semantics = [#tpu.dimension_semantics<arbitrary>], iteration_bounds = array<i64: 10>, scalar_prefetch = 0 : i64, scratch_operands = 0 : i64, tpu.core_type = #tpu.core_type<tc>, window_params = [{transform_indices = @transform_0, window_bounds = array<i64: 2, 128, 128>}, {transform_indices = @transform_1, window_bounds = array<i64: 2, 128, 128>}, {transform_indices = @transform_2, window_bounds = array<i64: 128, 128>}, {pipeline_mode = #tpu.pipeline_mode<synchronous>, transform_indices = @transform_3, window_bounds = array<i64: 1, 128>}, {transform_indices = @transform_4, window_bounds = array<i64: 128, 128>}]} {
    %get3A = arith.constant 0 : index
    %get3A_0 = arith.constant 0 : index
    %get3A_1 = arith.constant 0 : index
    %get3A_2 = vector.load %arg1[%get3A, %get3A_0, %get3A_1] : memref<2x128x128xf32, #tpu.memory_space<vmem>>, vector<2x128x128xf32>
    %slice3A = vector.extract_strided_slice %get3A_2 {offsets = [0, 0, 0], sizes = [1, 128, 128], strides = [1, 1, 1]} : vector<2x128x128xf32> to vector<1x128x128xf32>
    %squeeze3A = vector.shape_cast %slice3A : vector<1x128x128xf32> to vector<128x128xf32>
    %slice3A_3 = vector.extract_strided_slice %get3A_2 {offsets = [1, 0, 0], sizes = [1, 128, 128], strides = [1, 1, 1]} : vector<2x128x128xf32> to vector<1x128x128xf32>
    %squeeze3A_4 = vector.shape_cast %slice3A_3 : vector<1x128x128xf32> to vector<128x128xf32>
    %add3A = arith.addf %squeeze3A, %squeeze3A_4 : vector<128x128xf32>
    %add3A_5 = arith.constant 1.000000e+00 : f32
    %add3A_6 = vector.broadcast %add3A_5 : f32 to vector<128x128xf32>
    %add3A_7 = arith.addf %add3A, %add3A_6 : vector<128x128xf32>
    %rsqrt3A = math.rsqrt %add3A_7 : vector<128x128xf32>
    %get3A_8 = arith.constant 0 : index
    %get3A_9 = arith.constant 0 : index
    %get3A_10 = arith.constant 0 : index
    %get3A_11 = vector.load %arg2[%get3A_8, %get3A_9, %get3A_10] : memref<2x128x128xf32, #tpu.memory_space<vmem>>, vector<1x128x128xf32>
    %get3A_12 = vector.shape_cast %get3A_11 : vector<1x128x128xf32> to vector<128x128xf32>
    %get3A_13 = arith.constant 1 : index
    %get3A_14 = arith.constant 0 : index
    %get3A_15 = arith.constant 0 : index
    %get3A_16 = vector.load %arg2[%get3A_13, %get3A_14, %get3A_15] : memref<2x128x128xf32, #tpu.memory_space<vmem>>, vector<1x128x128xf32>
    %get3A_17 = vector.shape_cast %get3A_16 : vector<1x128x128xf32> to vector<128x128xf32>
    %add3A_18 = arith.addf %get3A_12, %get3A_17 : vector<128x128xf32>
    %get3A_19 = arith.constant 0 : index
    %get3A_20 = arith.constant 0 : index
    %get3A_21 = vector.load %arg3[%get3A_19, %get3A_20] : memref<128x128xf32, #tpu.memory_space<vmem>>, vector<128x128xf32>
    %add3A_22 = arith.addf %add3A_18, %get3A_21 : vector<128x128xf32>
    %mul3A = arith.mulf %rsqrt3A, %add3A_22 : vector<128x128xf32>
    %get3A_23 = arith.constant 0 : index
    %get3A_24 = arith.constant 0 : index
    %get3A_25 = vector.load %arg4[%get3A_23, %get3A_24] : memref<1x128xf32, #tpu.memory_space<vmem>>, vector<1x128xf32>
    %add3A_26 = vector.broadcast %get3A_25 : vector<1x128xf32> to vector<128x128xf32>
    %add3A_27 = arith.addf %mul3A, %add3A_26 : vector<128x128xf32>
    %max3A = arith.constant 0.000000e+00 : f32
    %max3A_28 = vector.broadcast %max3A : f32 to vector<128x128xf32>
    %max3A_29 = arith.maximumf %add3A_27, %max3A_28 : vector<128x128xf32>
    %mul3A_30 = arith.constant 128 : i32
    %mul3A_31 = arith.muli %arg0, %mul3A_30 : i32
    %iota3A = tpu.iota {dimensions = array<i32: 0>} : vector<128x128xi32>
    %add3A_32 = vector.broadcast %mul3A_31 : i32 to vector<128x128xi32>
    %add3A_33 = arith.addi %add3A_32, %iota3A : vector<128x128xi32>
    %iota3A_34 = tpu.iota {dimensions = array<i32: 1>} : vector<128x128xi32>
    %jit3A = arith.constant 16 : i32
    %div3A = vector.broadcast %jit3A : i32 to vector<128x128xi32>
    %div3A_35 = arith.divsi %iota3A_34, %div3A : vector<128x128xi32>
    %sign3A = arith.constant 0 : i32
    %sign3A_36 = vector.broadcast %sign3A : i32 to vector<128x128xi32>
    %sign3A_37 = arith.cmpi sgt, %iota3A_34, %sign3A_36 : vector<128x128xi32>
    %sign3A_38 = arith.extui %sign3A_37 : vector<128x128xi1> to vector<128x128xi32>
    %sign3A_39 = arith.constant 0 : i32
    %sign3A_40 = vector.broadcast %sign3A_39 : i32 to vector<128x128xi32>
    %sign3A_41 = arith.cmpi slt, %iota3A_34, %sign3A_40 : vector<128x128xi32>
    %sign3A_42 = arith.extui %sign3A_41 : vector<128x128xi1> to vector<128x128xi32>
    %sign3A_43 = arith.subi %sign3A_38, %sign3A_42 : vector<128x128xi32>
    %sign3A_44 = arith.constant 0 : i32
    %sign3A_45 = arith.cmpi sgt, %jit3A, %sign3A_44 : i32
    %sign3A_46 = arith.extui %sign3A_45 : i1 to i32
    %sign3A_47 = arith.constant 0 : i32
    %sign3A_48 = arith.cmpi slt, %jit3A, %sign3A_47 : i32
    %sign3A_49 = arith.extui %sign3A_48 : i1 to i32
    %sign3A_50 = arith.subi %sign3A_46, %sign3A_49 : i32
    %ne3A = vector.broadcast %sign3A_50 : i32 to vector<128x128xi32>
    %ne3A_51 = arith.cmpi ne, %sign3A_43, %ne3A : vector<128x128xi32>
    %rem3A = vector.broadcast %jit3A : i32 to vector<128x128xi32>
    %rem3A_52 = arith.remsi %iota3A_34, %rem3A : vector<128x128xi32>
    %ne3A_53 = arith.constant 0 : i32
    %ne3A_54 = vector.broadcast %ne3A_53 : i32 to vector<128x128xi32>
    %ne3A_55 = arith.cmpi ne, %rem3A_52, %ne3A_54 : vector<128x128xi32>
    %and3A = arith.andi %ne3A_51, %ne3A_55 : vector<128x128xi1>
    %sub3A = arith.constant 1 : i32
    %sub3A_56 = vector.broadcast %sub3A : i32 to vector<128x128xi32>
    %sub3A_57 = arith.subi %div3A_35, %sub3A_56 : vector<128x128xi32>
    %select_n3A = arith.select %and3A, %sub3A_57, %div3A_35 : vector<128x128xi1>, vector<128x128xi32>
    %mul3A_58 = arith.constant 8 : i32
    %mul3A_59 = vector.broadcast %mul3A_58 : i32 to vector<128x128xi32>
    %mul3A_60 = arith.muli %add3A_33, %mul3A_59 : vector<128x128xi32>
    %add3A_61 = arith.addi %mul3A_60, %select_n3A : vector<128x128xi32>
    %lt3A = arith.constant 10000 : i32
    %lt3A_62 = vector.broadcast %lt3A : i32 to vector<128x128xi32>
    %lt3A_63 = arith.cmpi slt, %add3A_61, %lt3A_62 : vector<128x128xi32>
    %mul3A_64 = arith.mulf %max3A_29, %rsqrt3A : vector<128x128xf32>
    %jit3A_65 = arith.constant 0.000000e+00 : f32
    %broadcast_in_dim3A = vector.broadcast %jit3A_65 : f32 to vector<128x128xf32>
    %select_n3A_66 = arith.select %lt3A_63, %mul3A_64, %broadcast_in_dim3A : vector<128x128xi1>, vector<128x128xf32>
    %swap3A = arith.constant 0 : index
    %swap3A_67 = arith.constant 0 : index
    %swap3A_68 = vector.load %arg5[%swap3A, %swap3A_67] : memref<128x128xf32, #tpu.memory_space<vmem>>, vector<128x128xf32>
    tpu.vector_store %arg5[%swap3A, %swap3A_67], %select_n3A_66 {strides = array<i32>} : memref<128x128xf32, #tpu.memory_space<vmem>>, vector<128x128xf32>,
    return
  }
  func.func @transform_0(%arg0: i32) -> (i32, i32, i32) {
    %c0_i32 = arith.constant 0 : i32
    %c0_i32_0 = arith.constant 0 : i32
    %c0_i32_1 = arith.constant 0 : i32
    return %c0_i32, %arg0, %c0_i32_0 : i32, i32, i32
  }
  func.func @transform_1(%arg0: i32) -> (i32, i32, i32) {
    %c0_i32 = arith.constant 0 : i32
    %c0_i32_0 = arith.constant 0 : i32
    %c0_i32_1 = arith.constant 0 : i32
    return %c0_i32, %arg0, %c0_i32_0 : i32, i32, i32
  }
  func.func @transform_2(%arg0: i32) -> (i32, i32) {
    %c0_i32 = arith.constant 0 : i32
    %c0_i32_0 = arith.constant 0 : i32
    return %arg0, %c0_i32 : i32, i32
  }
  func.func @transform_3(%arg0: i32) -> (i32, i32) {
    %c0_i32 = arith.constant 0 : i32
    %c0_i32_0 = arith.constant 0 : i32
    %c0_i32_1 = arith.constant 0 : i32
    return %c0_i32, %c0_i32_0 : i32, i32
  }
  func.func @transform_4(%arg0: i32) -> (i32, i32) {
    %c0_i32 = arith.constant 0 : i32
    %c0_i32_0 = arith.constant 0 : i32
    return %arg0, %c0_i32 : i32, i32
  }
}

module attributes {stable_mosaic.version = 14 : i64} {
  func.func @_tc3_body(%arg0: i32, %arg1: memref<2x128x128xf32, #tpu.memory_space<vmem>>, %arg2: memref<2x128x128xf32, #tpu.memory_space<vmem>>, %arg3: memref<128x128xf32, #tpu.memory_space<vmem>>, %arg4: memref<128x320xf32, #tpu.memory_space<vmem>>, %arg5: memref<1x320xf32, #tpu.memory_space<vmem>>, %arg6: memref<320x8xf32, #tpu.memory_space<vmem>>, %arg7: memref<8x320xf32, #tpu.memory_space<vmem>>, %arg8: memref<128x320xf32, #tpu.memory_space<vmem>>) attributes {dimension_semantics = [#tpu.dimension_semantics<arbitrary>], iteration_bounds = array<i64: 10>, scalar_prefetch = 0 : i64, scratch_operands = 0 : i64, tpu.core_type = #tpu.core_type<tc>, window_params = [{transform_indices = @transform_0, window_bounds = array<i64: 2, 128, 128>}, {transform_indices = @transform_1, window_bounds = array<i64: 2, 128, 128>}, {transform_indices = @transform_2, window_bounds = array<i64: 128, 128>}, {pipeline_mode = #tpu.pipeline_mode<synchronous>, transform_indices = @transform_3, window_bounds = array<i64: 128, 320>}, {pipeline_mode = #tpu.pipeline_mode<synchronous>, transform_indices = @transform_4, window_bounds = array<i64: 1, 320>}, {pipeline_mode = #tpu.pipeline_mode<synchronous>, transform_indices = @transform_5, window_bounds = array<i64: 320, 8>}, {pipeline_mode = #tpu.pipeline_mode<synchronous>, transform_indices = @transform_6, window_bounds = array<i64: 8, 320>}, {transform_indices = @transform_7, window_bounds = array<i64: 128, 320>}]} {
    %get3A = arith.constant 0 : index
    %get3A_0 = arith.constant 0 : index
    %get3A_1 = arith.constant 0 : index
    %get3A_2 = vector.load %arg1[%get3A, %get3A_0, %get3A_1] : memref<2x128x128xf32, #tpu.memory_space<vmem>>, vector<2x128x128xf32>
    %slice3A = vector.extract_strided_slice %get3A_2 {offsets = [0, 0, 0], sizes = [1, 128, 128], strides = [1, 1, 1]} : vector<2x128x128xf32> to vector<1x128x128xf32>
    %squeeze3A = vector.shape_cast %slice3A : vector<1x128x128xf32> to vector<128x128xf32>
    %slice3A_3 = vector.extract_strided_slice %get3A_2 {offsets = [1, 0, 0], sizes = [1, 128, 128], strides = [1, 1, 1]} : vector<2x128x128xf32> to vector<1x128x128xf32>
    %squeeze3A_4 = vector.shape_cast %slice3A_3 : vector<1x128x128xf32> to vector<128x128xf32>
    %add3A = arith.addf %squeeze3A, %squeeze3A_4 : vector<128x128xf32>
    %add3A_5 = arith.constant 1.000000e+00 : f32
    %add3A_6 = vector.broadcast %add3A_5 : f32 to vector<128x128xf32>
    %add3A_7 = arith.addf %add3A, %add3A_6 : vector<128x128xf32>
    %rsqrt3A = math.rsqrt %add3A_7 : vector<128x128xf32>
    %get3A_8 = arith.constant 0 : index
    %get3A_9 = arith.constant 0 : index
    %get3A_10 = arith.constant 0 : index
    %get3A_11 = vector.load %arg2[%get3A_8, %get3A_9, %get3A_10] : memref<2x128x128xf32, #tpu.memory_space<vmem>>, vector<1x128x128xf32>
    %get3A_12 = vector.shape_cast %get3A_11 : vector<1x128x128xf32> to vector<128x128xf32>
    %get3A_13 = arith.constant 1 : index
    %get3A_14 = arith.constant 0 : index
    %get3A_15 = arith.constant 0 : index
    %get3A_16 = vector.load %arg2[%get3A_13, %get3A_14, %get3A_15] : memref<2x128x128xf32, #tpu.memory_space<vmem>>, vector<1x128x128xf32>
    %get3A_17 = vector.shape_cast %get3A_16 : vector<1x128x128xf32> to vector<128x128xf32>
    %add3A_18 = arith.addf %get3A_12, %get3A_17 : vector<128x128xf32>
    %get3A_19 = arith.constant 0 : index
    %get3A_20 = arith.constant 0 : index
    %get3A_21 = vector.load %arg3[%get3A_19, %get3A_20] : memref<128x128xf32, #tpu.memory_space<vmem>>, vector<128x128xf32>
    %add3A_22 = arith.addf %add3A_18, %get3A_21 : vector<128x128xf32>
    %mul3A = arith.mulf %rsqrt3A, %add3A_22 : vector<128x128xf32>
    %get3A_23 = arith.constant 0 : index
    %get3A_24 = arith.constant 0 : index
    %get3A_25 = vector.load %arg4[%get3A_23, %get3A_24] : memref<128x320xf32, #tpu.memory_space<vmem>>, vector<128x320xf32>
    %dot_general3A = arith.constant dense<0.000000e+00> : vector<128x320xf32>
    %dot_general3A_26 = tpu.matmul %mul3A, %get3A_25, %dot_general3A {dimension_numbers = #tpu.dot_dimension_numbers<[1], [0], [0], [1], [0, 0, 1, 1], [], []>, transpose_lhs_hint = false} : vector<128x128xf32>, vector<128x320xf32>, vector<128x320xf32> -> vector<128x320xf32>
    %get3A_27 = arith.constant 0 : index
    %get3A_28 = arith.constant 0 : index
    %get3A_29 = vector.load %arg5[%get3A_27, %get3A_28] : memref<1x320xf32, #tpu.memory_space<vmem>>, vector<1x320xf32>
    %add3A_30 = vector.broadcast %get3A_29 : vector<1x320xf32> to vector<128x320xf32>
    %add3A_31 = arith.addf %dot_general3A_26, %add3A_30 : vector<128x320xf32>
    %reduce_max3A = arith.constant dense<0xFF800000> : vector<128xf32>
    %reduce_max3A_32 = vector.multi_reduction <maximumf>, %add3A_31, %reduce_max3A [1] : vector<128x320xf32> to vector<128xf32>
    %broadcast_in_dim3A = vector.shape_cast %reduce_max3A_32 : vector<128xf32> to vector<128x1xf32>
    %sub3A = vector.broadcast %broadcast_in_dim3A : vector<128x1xf32> to vector<128x320xf32>
    %sub3A_33 = arith.subf %add3A_31, %sub3A : vector<128x320xf32>
    %exp3A = math.exp %sub3A_33 : vector<128x320xf32>
    %get3A_34 = arith.constant 0 : index
    %get3A_35 = arith.constant 0 : index
    %get3A_36 = vector.load %arg6[%get3A_34, %get3A_35] : memref<320x8xf32, #tpu.memory_space<vmem>>, vector<320x8xf32>
    %dot_general3A_37 = arith.constant dense<0.000000e+00> : vector<128x8xf32>
    %dot_general3A_38 = tpu.matmul %exp3A, %get3A_36, %dot_general3A_37 {dimension_numbers = #tpu.dot_dimension_numbers<[1], [0], [0], [1], [0, 0, 1, 1], [], []>, transpose_lhs_hint = false} : vector<128x320xf32>, vector<320x8xf32>, vector<128x8xf32> -> vector<128x8xf32>
    %log3A = math.log %dot_general3A_38 : vector<128x8xf32>
    %add3A_39 = vector.broadcast %broadcast_in_dim3A : vector<128x1xf32> to vector<128x8xf32>
    %add3A_40 = arith.addf %log3A, %add3A_39 : vector<128x8xf32>
    %get3A_41 = arith.constant 0 : index
    %get3A_42 = arith.constant 0 : index
    %get3A_43 = vector.load %arg7[%get3A_41, %get3A_42] : memref<8x320xf32, #tpu.memory_space<vmem>>, vector<8x320xf32>
    %dot_general3A_44 = arith.constant dense<0.000000e+00> : vector<128x320xf32>
    %dot_general3A_45 = tpu.matmul %add3A_40, %get3A_43, %dot_general3A_44 {dimension_numbers = #tpu.dot_dimension_numbers<[1], [0], [0], [1], [0, 0, 1, 1], [], []>, transpose_lhs_hint = false} : vector<128x8xf32>, vector<8x320xf32>, vector<128x320xf32> -> vector<128x320xf32>
    %sub3A_46 = arith.subf %add3A_31, %dot_general3A_45 : vector<128x320xf32>
    %swap3A = arith.constant 0 : index
    %swap3A_47 = arith.constant 0 : index
    %swap3A_48 = vector.load %arg8[%swap3A, %swap3A_47] : memref<128x320xf32, #tpu.memory_space<vmem>>, vector<128x320xf32>
    tpu.vector_store %arg8[%swap3A, %swap3A_47], %sub3A_46 {strides = array<i32>} : memref<128x320xf32, #tpu.memory_space<vmem>>, vector<128x320xf32>,
    return
  }
  func.func @transform_0(%arg0: i32) -> (i32, i32, i32) {
    %c0_i32 = arith.constant 0 : i32
    %c0_i32_0 = arith.constant 0 : i32
    %c0_i32_1 = arith.constant 0 : i32
    return %c0_i32, %arg0, %c0_i32_0 : i32, i32, i32
  }
  func.func @transform_1(%arg0: i32) -> (i32, i32, i32) {
    %c0_i32 = arith.constant 0 : i32
    %c0_i32_0 = arith.constant 0 : i32
    %c0_i32_1 = arith.constant 0 : i32
    return %c0_i32, %arg0, %c0_i32_0 : i32, i32, i32
  }
  func.func @transform_2(%arg0: i32) -> (i32, i32) {
    %c0_i32 = arith.constant 0 : i32
    %c0_i32_0 = arith.constant 0 : i32
    return %arg0, %c0_i32 : i32, i32
  }
  func.func @transform_3(%arg0: i32) -> (i32, i32) {
    %c0_i32 = arith.constant 0 : i32
    %c0_i32_0 = arith.constant 0 : i32
    %c0_i32_1 = arith.constant 0 : i32
    return %c0_i32, %c0_i32_0 : i32, i32
  }
  func.func @transform_4(%arg0: i32) -> (i32, i32) {
    %c0_i32 = arith.constant 0 : i32
    %c0_i32_0 = arith.constant 0 : i32
    %c0_i32_1 = arith.constant 0 : i32
    return %c0_i32, %c0_i32_0 : i32, i32
  }
  func.func @transform_5(%arg0: i32) -> (i32, i32) {
    %c0_i32 = arith.constant 0 : i32
    %c0_i32_0 = arith.constant 0 : i32
    %c0_i32_1 = arith.constant 0 : i32
    return %c0_i32, %c0_i32_0 : i32, i32
  }
  func.func @transform_6(%arg0: i32) -> (i32, i32) {
    %c0_i32 = arith.constant 0 : i32
    %c0_i32_0 = arith.constant 0 : i32
    %c0_i32_1 = arith.constant 0 : i32
    return %c0_i32, %c0_i32_0 : i32, i32
  }
  func.func @transform_7(%arg0: i32) -> (i32, i32) {
    %c0_i32 = arith.constant 0 : i32
    %c0_i32_0 = arith.constant 0 : i32
    return %arg0, %c0_i32 : i32, i32
  }
}

</mosaic_0001>

<sc_bundles>
// kernel: kernel.11.cloned.1.call-start
scs
__scs_entry_jumppad:
0x0: {  	(pc) =	sbr.rel $0x88, $3  }
0x1: {  	(tag) =	ssettag $0x0;
	lr =	simm.s32 $0x1  }
0x2: {  	[smem:$0x3F9B] =	sst lr;
	_ =	strace $0xD0000000  }
0x3: {  	_ = 	snop  }
0x4: {  	_ = 	snop  }
0x5: {  	_ = 	snop  }
0x6: {  	_ = 	snop  }
0x7: {  	_ = 	snop  }
__scs_overlays_trampoline_lowered:
0x8: {  	[smem:$0x3FAA] =	sst s0  }
0x9: {  	[smem:$0x3FAB] =	sst s1  }
0xa: {  	[smem:$0x3FAC] =	sst s2  }
0xb: {  	[smem:$0x3FAD] =	sst s3  }
0xc: {  	[smem:$0x3FAE] =	sst s4  }
0xd: {  	[smem:$0x3FAF] =	sst s5  }
0xe: {  	[smem:$0x3FB0] =	sst s6  }
0xf: {  	[smem:$0x3FB1] =	sst s7  }
0x10: {  	[smem:$0x3FB2] =	sst s8  }
0x11: {  	[smem:$0x3FB3] =	sst s9;
	s0 =	simm.s32 @!p0 $0x0  }
0x12: {  	s1 =	sld [smem:$0x3F99];
	s0 =	simm.s32 @p0 $0x1  }
0x13: {  	[smem:$0x3FB4] =	sst s0;
	s0 =	simm.s32 @!p1 $0x0  }
0x14: {  	s2 =	sld [smem:$0x3F98];
	s0 =	simm.s32 @p1 $0x1  }
0x15: {  	[smem:$0x3FB5] =	sst s0;
	s0 =	simm.s32 @!p2 $0x0  }
0x16: {  	s3 =	sld [smem:$0x3FDB];
	s0 =	simm.s32 @p2 $0x1  }
0x17: {  	s4 =	simm.s32 $0x1BF5;
	[smem:$0x3FB7] =	sst s0  }
0x18: {  	s0 =	sld [smem:$0x3F9A];
	_ =	swait.ge [sflag:s4], $0x0  }
0x19: {  	s7 =	sld [smem:$0x3F9B]  }
0x1a: {  	s8 =	sadd.s32 $0xFFFFE003, lr  }
0x1b: {  	s9 =	sadd.s32 $0xFFFFFEF7, lr;
	s5 =	simm.s32 $0xFFFFFFFF;
	p2 =	slt.u32 s8, $0xFFFFF086  }
0x1c: {  	p1 =	slt.u32 s9, $0xF7A;
	s5 =	simm.s32 @!p2 $0x0  }
0x1d: {  	s5 =	simm.s32 @p1 $0x1;
	p0 =	seq.s32 s7, s2  }
0x1e: {  	s7 =	smul.u32 @!p0 $0xF7A, s2;
	p2 =	seq.s32 @!p0 s5, $0x0  }
0x1f: {  	s9 =	smul.u32 $0xF7A, s1;
	s8 =	simm.s32 @!p0 $0x1BF5;
	p2 =	por !p2, p0  }
0x20: {  	[sflag:s8] =	ssyncset.s32 @!p0 $0xFFFFF086;
	s6 =	sadd.s32 @!p0 s3, s7;
	s7 =	simm.s32 @!p0 $0x108  }
0x21: {  	s3 =	sadd.s32 s3, s9;
	s6 =	sadd.s32 @!p0 $0x88, s6;
	s7 =	simm.s32 @p2 $0x1082  }
0x22: {  	[simem:s7], [sflag:s8] =	dma.local @!p0 [hbm:s6], $0xF7A  }
0x23: {  	s9 =	sor.u32 $0xD0000000, s2;
	s6 =	simm.s32 $0x108;
	_ =	swait.ge @!p0 [sflag:s8], $0x0  }
0x24: {  	s3 =	sadd.s32 $0x88, s3;
	s6 =	simm.s32 @!p1 $0x1082;
	[sflag:s4] =	ssyncset.s32 $0xFFFFF086  }
0x25: {  	[simem:s6], [sflag:s4] =	dma.local [hbm:s3], $0xF7A  }
0x26: {  	[smem:$0x3F9B] =	sst s1;
	(tag) =	ssettag s2;
	_ =	strace s9  }
0x27: {  	s1 =	sld [smem:$0x3FAB]  }
0x28: {  	s2 =	sld [smem:$0x3FAC]  }
0x29: {  	s4 =	sld [smem:$0x3FAE]  }
0x2a: {  	p0 =	seq.s32 s5, $0x0;
	s5 =	sld [smem:$0x3FAF]  }
0x2b: {  	s6 =	sld [smem:$0x3FB0]  }
0x2c: {  	s7 =	sld [smem:$0x3FB1]  }
0x2d: {  	s3 =	simm.s32 $0x108;
	s8 =	sld [smem:$0x3FB2]  }
0x2e: {  	s3 =	simm.s32 @!p0 $0x1082;
	s9 =	sld [smem:$0x3FB3]  }
0x2f: {  	lr =	sadd.s32 s0, s3;
	s0 =	sld [smem:$0x3FAA]  }
0x30: {  	s3 =	sld [smem:$0x3FAD]  }
0x31: {  	[smem:$0x3FB6] =	sst s10  }
0x32: {  	s10 =	sld [smem:$0x3FB4];
	_ =	sdelay $0x3  }
0x33: {  	p0 =	seq.s32 s10, $0x1;
	s10 =	sld [smem:$0x3FB6];
	_ =	sdelay $0x3  }
0x34: {  	[smem:$0x3FB6] =	sst s10  }
0x35: {  	s10 =	sld [smem:$0x3FB5];
	_ =	sdelay $0x3  }
0x36: {  	p1 =	seq.s32 s10, $0x1;
	s10 =	sld [smem:$0x3FB6];
	_ =	sdelay $0x3  }
0x37: {  	[smem:$0x3FB6] =	sst s10  }
0x38: {  	s10 =	sld [smem:$0x3FB7]  }
0x39: {  	_ = 	snop;
	(pc) =	sbr.ind lr, $3  }
0x3a: {  	_ = 	snop  }
0x3b: {  	_ = 	snop  }
0x3c: {  	p2 =	seq.s32 s10, $0x1;
	s10 =	sld [smem:$0x3FB6]  }
0x3d: {  	_ =	shalt  }
0x3e: {  	_ =	shalt  }
0x3f: {  	_ =	shalt  }
0x40: {  	_ =	shalt  }
0x41: {  	_ =	shalt  }
0x42: {  	_ =	shalt  }
0x43: {  	_ =	shalt  }
0x44: {  	_ =	shalt  }
0x45: {  	_ =	shalt  }
0x46: {  	_ =	shalt  }
0x47: {  	_ =	shalt  }
0x48: {  	_ =	shalt  }
0x49: {  	_ =	shalt  }
0x4a: {  	_ =	shalt  }
0x4b: {  	_ =	shalt  }
0x4c: {  	_ =	shalt  }
0x4d: {  	_ =	shalt  }
0x4e: {  	_ =	shalt  }
0x4f: {  	_ =	shalt  }
0x50: {  	_ =	shalt  }
0x51: {  	_ =	shalt  }
0x52: {  	_ =	shalt  }
0x53: {  	_ =	shalt  }
0x54: {  	_ =	shalt  }
0x55: {  	_ =	shalt  }
0x56: {  	_ =	shalt  }
0x57: {  	_ =	shalt  }
0x58: {  	_ =	shalt  }
0x59: {  	_ =	shalt  }
0x5a: {  	_ =	shalt  }
0x5b: {  	_ =	shalt  }
0x5c: {  	_ =	shalt  }
0x5d: {  	_ =	shalt  }
0x5e: {  	_ =	shalt  }
0x5f: {  	_ =	shalt  }
0x60: {  	_ =	shalt  }
0x61: {  	_ =	shalt  }
0x62: {  	_ =	shalt  }
0x63: {  	_ =	shalt  }
0x64: {  	_ =	shalt  }
0x65: {  	_ =	shalt  }
0x66: {  	_ =	shalt  }
0x67: {  	_ =	shalt  }
0x68: {  	_ =	shalt  }
0x69: {  	_ =	shalt  }
0x6a: {  	_ =	shalt  }
0x6b: {  	_ =	shalt  }
0x6c: {  	_ =	shalt  }
0x6d: {  	_ =	shalt  }
0x6e: {  	_ =	shalt  }
0x6f: {  	_ =	shalt  }
0x70: {  	_ =	shalt  }
0x71: {  	_ =	shalt  }
0x72: {  	_ =	shalt  }
0x73: {  	_ =	shalt  }
0x74: {  	_ =	shalt  }
0x75: {  	_ =	shalt  }
0x76: {  	_ =	shalt  }
0x77: {  	_ =	shalt  }
0x78: {  	_ =	shalt  }
0x79: {  	_ =	shalt  }
0x7a: {  	_ =	shalt  }
0x7b: {  	_ =	shalt  }
0x7c: {  	_ =	shalt  }
0x7d: {  	_ =	shalt  }
0x7e: {  	_ =	shalt  }
0x7f: {  	_ =	shalt  }
0x80: {  	_ =	shalt  }
0x81: {  	_ =	shalt  }
0x82: {  	_ =	shalt  }
0x83: {  	_ =	shalt  }
0x84: {  	_ =	shalt  }
0x85: {  	_ =	shalt  }
0x86: {  	_ =	shalt  }
0x87: {  	_ =	shalt  }
.Lfunc_end0:
.L_simem_size_0:
called_computation.1_lowered:
.L_overlay_start_0:
0x88: {  	s2 =	sld [smem:$0x3FD9]  }
0x89: {  	s3 =	sld [smem:$0x3FFE];
	_ =	sdelay $0x1  }
0x8a: {  	s1 =	srdreg.scid  }
0x8b: {  	s0 =	sand.u32 $0x1, s1  }
0x8c: {  	s17 =	sshll.u32 s0, $0xA;
	s2 =	sadd.s32 s3, s2  }
0x8d: {  	s2 =	sadd.s32 s2, s17  }
0x8e: {  	[smem:$0x3FC2] =	sst s2  }
0x8f: {  	_ = 	snop  }
0x90: {  	s2 =	sld [smem:$0x3FD0];
	(tm) =	ssettm $0x1  }
0x91: {  	s18 =	sld [smem:$0x3FFB];
	_ =	sdelay $0x3  }
0x92: {  	_ =	strace s18  }
0x93: {  	s3 =	sld [smem:$0x3FFC];
	_ =	sdelay $0x3  }
0x94: {  	_ =	strace s3  }
0x95: {  	s3 =	sld [smem:$0x3FFD];
	_ =	sdelay $0x3  }
0x96: {  	_ =	strace s3  }
0x97: {  	_ =	strace $0x8FFFFFFF  }
0x98: {  	s19 =	sld [smem:$0x3FDB];
	_ =	sdelay $0x1  }
0x99: {  	s4 =	simm.s32 $_scs_section_size  }
0x9a: {  	s5 =	simm.s32 $_size__tile_overlayer_lowered;
	s6 =	simm.s32 $_tile_overlayer_lowered  }
0x9b: {  	s22 =	simm.s32 $0x1BFF;
	s21 =	sshll.u32 s6, $0x1;
	s3 =	sadd.s32 s4, s19  }
0x9c: {  	s7 =	simm.s32 $0x0;
	s20 =	sshll.u32 s5, $0x1;
	s5 =	sadd.s32 s21, s3  }
0x9d: {  	[timem:s7], [sflag:s22] =	dma.local [hbm:s5], s20  }
0x9e: {  	_ =	swait.ge [sflag:s22], s20  }
0x9f: {  	s4 =	ssub.s32 $0x0, s20;
	[sflag:s22] =	ssyncset.done $0x0  }
0xa0: {  	[sflag:s22] =	ssyncadd.s32 s4;
	_ =	sdelay $0x1  }
0xa1: {  	s23 =	simm.s32 $0x1B8B  }
0xa2: {  	_ =	swait.ge [sflag:s23], $0x1  }
0xa3: {  	[sflag:s23] =	ssyncset.done $0x0  }
0xa4: {  	s25 =	simm.s32 $0x1B8E;
	s24 =	sld [smem:$0x3FFE];
	[sflag:s23] =	ssyncadd.s32 $0xFFFFFFFF  }
0xa5: {  	s26 =	simm.s32 $execute0_lowered;
	[smem:$0x3FD2] =	sst s25  }
0xa6: {  	s5 =	sshll.u32 s26, $0x1;
	_ =	strace $0x80000049;
	[dreg:$0x1] =	wrdreg $0xFFFFFFFF  }
0xa7: {  	s28 =	simm.s32 $_size_execute0_lowered;
	s3 =	sadd.s32 s3, s5;
	[dreg:$0x0] =	wrdreg $0x0  }
0xa8: {  	s5 =	sshll.u32 s28, $0x1;
	[dreg:$0x2] =	wrdreg s3  }
0xa9: {  	[dreg:$0x3] =	wrdreg s5  }
0xaa: {  	[dreg:$0x4] =	wrdreg $0xC0  }
0xab: {  	_ =	task [dreg:s7], $0x5FFFF  }
0xac: {  	[dreg:$0x1] =	wrdreg $0xFFFFFFFF  }
0xad: {  	[dreg:$0x0] =	wrdreg $0x60  }
0xae: {  	[dreg:$0x2] =	wrdreg s24  }
0xaf: {  	[dreg:$0x3] =	wrdreg s2  }
0xb0: {  	[dreg:$0x4] =	wrdreg $0x8FA00  }
0xb1: {  	[dreg:$0x5] =	wrdreg $0x67A00  }
0xb2: {  	[dreg:$0x6] =	wrdreg $0x9  }
0xb3: {  	_ =	task.clear_ibuf [dreg:s7], $0x7FFFF;
	_ =	strace $0x90000049  }
0xb4: {  	s29 =	simm.s32 $0x9;
	_ =	strace $0x8000004B  }
0xb5: {  	_ =	swait.ge [sflag:s29], $0x1  }
0xb6: {  	[sflag:s29] =	ssyncadd.s32 $0xFFFFFFFF  }
0xb7: {  	_ =	strace $0x9000004B  }
0xb8: {  	_ =	sfence  }
0xb9: {  	s30 =	sld [smem:$0x0];
	_ =	sdelay $0x2  }
0xba: {  	s31 =	sshll.u32 s1, $0xD;
	s1 =	sshrl.u32 s1, $0x2  }
0xbb: {  	s3 =	sand.u32 $0x4000, s31;
	s1 =	sadd.s32 s1, s30  }
0xbc: {  	s0 =	sor.u32 s3, s0;
	s1 =	sshll.u32 s1, $0x11  }
0xbd: {  	s0 =	sor.u32 s1, s0  }
0xbe: {  	s0 =	sadd.s32 $0x8F2B, s0  }
0xbf: {  	[sflag:s0] =	ssyncadd.remote.s32 $0x1  }
0xc0: {  	_ =	sfence.sel $0xFFFF  }
0xc1: {  	[dreg:$0x0] =	wrdreg $0xFFFFFFFF;
	(pc) =	sbr.abs _section_cstart, $3  }
0xc2: {  	[dreg:$0x1] =	wrdreg $0xFFFFFFFF  }
0xc3: {  	_ =	task.clear_ibuf [dreg:s7], $0x2FFFF;
	_ =	strace $0x9FFFFFFF  }
0xc4: {  	(tm) =	ssettm $0x7FFFFFFF  }
0xc5: {  	_ =	shalt  }
tec
execute0_lowered:
.L_overlay_start_1:
0x0: {  	(tag) =	ssettag $0x1  }
0x1: {  	s0 =	rddreg [dreg:$0x0];
	s1 =	srdreg.scid  }
0x2: {  	s17 =	stileid.u32;
	s10 =	rddreg [dreg:$0x1]  }
0x3: {  	s2 =	rddreg [dreg:$0x2];
	s16 =	simm.s32 $0x3;
	s18 =	simm.s32 $0x5FA0  }
0x4: {  	s21 =	simm.s32 $0x7D;
	s22 =	simm.s32 $0x5000;
	s23 =	simm.s32 $0x57D0  }
0x5: {  	s30 =	simm.s32 $0x4F80;
	s31 =	simm.s32 $0x0;
	s11 =	smul.u32 $0x2800, s17  }
0x6: {  	s1 =	sand.u32 $0x1, s1;
	s3 =	sshll.u32 s17, $0x1;
	s9 =	smul.u32 $0x500, s17  }
0x7: {  	s13 =	smul.u32 $0xA000, s17;
	s29 =	sshll.u32 s17, $0x6;
	s4 =	sor.u32 s1, s3  }
0x8: {  	s3 =	rddreg [dreg:$0x3];
	s6 =	ssub.s32 $0x2, s1;
	s1 =	smul.u32 $0x5000, s1  }
0x9: {  	s19 =	sor.u32 $0x1C03, s29;
	s5 =	smul.u32 $0x2800, s4;
	s4 =	simm.s32 $0x0  }
0xa: {  	s24 =	sshrl.u32 s11, $0x3;
	s12 =	sshrl.u32 s6, $0x1;
	s20 =	sadd.s32 s11, s2  }
0xb: {  	s26 =	sshrl.u32 s13, $0x2;
	s28 =	sadd.s32 s11, s3;
	[smem:$0x7FF] =	sst s4  }
0xc: {  	s8 =	sadd.s32 s24, s0;
	s25 =	ssub.s32 s6, s12;
	s1 =	sadd.s32 s9, s1  }
0xd: {  	s9 =	sadd.s32 s26, s3;
	s20 =	sshrl.u32 s20, $0x3;
	s24 =	simm.s32 $0x1  }
0xe: {  	s26 =	simm.s32 $0x2;
	s5 =	sshrl.u32 s5, $0x3;
	_ =	strace $0x8000004A  }
0xf: {  	s8 =	sadd.s32 $0x16C00, s8;
	s10 =	sadd.s32 s10, s1;
	s11 =	smax.u32 s25, $0x1  }
0x10: {  	s12 =	sadd.s32 $0x800, s9;
	s13 =	sadd.s32 $0x1000, s9;
	s14 =	sadd.s32 $0x1800, s9  }
0x11: {  	s15 =	sadd.s32 $0x2000, s9;
	s25 =	sshrl.u32 s28, $0x3;
	s7 =	sadd.s32 s5, s0  }
0x12: {  	s5 =	sadd.s32 $0x16A00, s0;
	s6 =	sadd.s32 $0x2A00, s7;
	s7 =	sadd.s32 $0xCA00, s7  }
.LBB2_1:
0x13: {  	[tilespmem:s4], [sflag:$0x3] =	stream.linear.gather [hbm4b:s6+s4], $0x2800, $0x38;
	[tilespmem:$0xB7A0] =	vst v63  }
0x14: {  	_ =	swait.ge [sflag:s16], $0x2800  }
0x15: {  	[sflag:s16] =	ssyncset.done $0x0  }
0x16: {  	s0 =	simm.s32 $0x2800;
	[sflag:s16] =	ssyncadd.s32 $0xFFFFD800  }
0x17: {  	[tilespmem:s0], [sflag:$0x3] =	stream.linear.gather [hbm4b:s7+s4], $0x2800, $0x38;
	[tilespmem:$0xB7A0] =	vst v63  }
0x18: {  	_ =	swait.ge [sflag:s16], $0x2800  }
0x19: {  	[sflag:s16] =	ssyncset.done $0x0  }
0x1a: {  	[sflag:s16] =	ssyncadd.s32 $0xFFFFD800  }
0x1b: {  	[tilespmem:s18], [sflag:$0x3] =	stream.linear.gather [hbm4b:s5+s4], $0x800, $0x38;
	[tilespmem:$0xB7A0] =	vst v63  }
0x1c: {  	_ =	swait.ge [sflag:s16], $0x800  }
0x1d: {  	[sflag:s16] =	ssyncset.done $0x0  }
0x1e: {  	[sflag:s16] =	ssyncadd.s32 $0xFFFFF800  }
0x1f: {  	[spmem:s20], [sflag:s19] =	dma.local [hbm:s8], $0x500  }
0x20: {  	_ =	swait.ge [sflag:s16], $0x500  }
0x21: {  	[sflag:s16] =	ssyncset.done $0x0  }
0x22: {  	[sflag:s16] =	ssyncadd.s32 $0xFFFFFB00  }
0x23: {  	[spmem:s9] =	stream.linear.scatter [tilespmem:s18], [sflag:$0x3], $0x800, $0x38;
	[tilespmem:$0xB7A0] =	vst v63  }
0x24: {  	_ =	swait.ge [sflag:s16], $0x800  }
0x25: {  	[sflag:s16] =	ssyncset.done $0x0  }
0x26: {  	[sflag:s16] =	ssyncadd.s32 $0xFFFFF800  }
0x27: {  	[spmem:s12] =	stream.linear.scatter [tilespmem:s18], [sflag:$0x3], $0x800, $0x38;
	[tilespmem:$0xB7A0] =	vst v63  }
0x28: {  	_ =	swait.ge [sflag:s16], $0x800  }
0x29: {  	[sflag:s16] =	ssyncset.done $0x0  }
0x2a: {  	[sflag:s16] =	ssyncadd.s32 $0xFFFFF800  }
0x2b: {  	[spmem:s13] =	stream.linear.scatter [tilespmem:s18], [sflag:$0x3], $0x800, $0x38;
	[tilespmem:$0xB7A0] =	vst v63  }
0x2c: {  	_ =	swait.ge [sflag:s16], $0x800  }
0x2d: {  	[sflag:s16] =	ssyncset.done $0x0  }
0x2e: {  	[sflag:s16] =	ssyncadd.s32 $0xFFFFF800  }
0x2f: {  	[spmem:s14] =	stream.linear.scatter [tilespmem:s18], [sflag:$0x3], $0x800, $0x38;
	[tilespmem:$0xB7A0] =	vst v63  }
0x30: {  	_ =	swait.ge [sflag:s16], $0x800  }
0x31: {  	[sflag:s16] =	ssyncset.done $0x0  }
0x32: {  	[sflag:s16] =	ssyncadd.s32 $0xFFFFF800  }
0x33: {  	[spmem:s15] =	stream.linear.scatter [tilespmem:s18], [sflag:$0x3], $0x800, $0x38;
	[tilespmem:$0xB7A0] =	vst v63  }
0x34: {  	_ =	swait.ge [sflag:s16], $0x800  }
0x35: {  	[sflag:s16] =	ssyncset.done $0x0  }
0x36: {  	[sflag:s16] =	ssyncadd.s32 $0xFFFFF800  }
0x37: {  	[bflag:$0x0] =	sbarrier.arrive $0xFFFF  }
0x38: {  	[tilespmem:s22], [sflag:$0x1] =	stream.indirect.gather [spmem:s2], $0x10, s4, s21, $0xb8;
	[tilespmem:$0xB7A0] =	vst v63  }
0x39: {  	s1 =	simm.s32 $0x80  }
0x3a: {  	[tilespmem:s23], [sflag:$0x2] =	stream.indirect.gather [spmem:s2], $0x10, s1, s21, $0xb8;
	[tilespmem:$0xB7A0] =	vst v63  }
0x3b: {  	_ =	swait.ge [sflag:s24], $0x7D0  }
0x3c: {  	[sflag:s24] =	ssyncset.done $0x0  }
0x3d: {  	s17 =	simm.s32 $0x2800;
	[sflag:s24] =	ssyncadd.s32 $0xFFFFF830  }
0x3e: {  	[spmem:s3] =	stream.indirect.scatter.add.f32 [tilespmem:s22], [sflag:$0x3], $0x10, s17, s21, $0xb8;
	[tilespmem:$0xB7A0] =	vst v63  }
0x3f: {  	_ =	swait.ge [sflag:s16], $0x7D0  }
0x40: {  	[sflag:s16] =	ssyncset.done $0x0  }
0x41: {  	s28 =	simm.s32 $0x100;
	[sflag:s16] =	ssyncadd.s32 $0xFFFFF830  }
0x42: {  	[tilespmem:s22], [sflag:$0x1] =	stream.indirect.gather [spmem:s2], $0x10, s28, s21, $0xb8;
	[tilespmem:$0xB7A0] =	vst v63  }
0x43: {  	_ =	swait.ge [sflag:s26], $0x7D0  }
0x44: {  	[sflag:s26] =	ssyncset.done $0x0  }
0x45: {  	s29 =	simm.s32 $0x2880;
	[sflag:s26] =	ssyncadd.s32 $0xFFFFF830  }
0x46: {  	[spmem:s3] =	stream.indirect.scatter.add.f32 [tilespmem:s23], [sflag:$0x3], $0x10, s29, s21, $0xb8;
	[tilespmem:$0xB7A0] =	vst v63  }
0x47: {  	_ =	swait.ge [sflag:s16], $0x7D0  }
0x48: {  	s0 =	simm.s32 $0x800;
	s1 =	simm.s32 $0x100;
	[sflag:s16] =	ssyncset.done $0x0  }
.LBB2_2:
0x49: {  	s17 =	sadd.s32 $0x80, s1  }
0x4a: {  	[sflag:s16] =	ssyncadd.s32 $0xFFFFF830;
	s28 =	smov.u32 s0;
	s29 =	sadd.s32 $0x400, s0  }
0x4b: {  	[tilespmem:s23], [sflag:$0x2] =	stream.indirect.gather [spmem:s2], $0x10, s17, s21, $0xb8;
	[tilespmem:$0xB7A0] =	vst v63  }
0x4c: {  	p0 =	sne.s32 s0, $0x9800;
	_ =	swait.ge [sflag:s24], $0x7D0  }
0x4d: {  	[sflag:s24] =	ssyncset.done $0x0  }
0x4e: {  	s0 =	sadd.s32 $0x2800, s1;
	[sflag:s24] =	ssyncadd.s32 $0xFFFFF830  }
0x4f: {  	[spmem:s3] =	stream.indirect.scatter.add.f32 [tilespmem:s22], [sflag:$0x3], $0x10, s0, s21, $0xb8;
	[tilespmem:$0xB7A0] =	vst v63  }
0x50: {  	_ =	swait.ge [sflag:s16], $0x7D0  }
0x51: {  	[sflag:s16] =	ssyncset.done $0x0  }
0x52: {  	s0 =	sadd.s32 $0x100, s1;
	[sflag:s16] =	ssyncadd.s32 $0xFFFFF830  }
0x53: {  	[tilespmem:s22], [sflag:$0x1] =	stream.indirect.gather [spmem:s2], $0x10, s0, s21, $0xb8;
	[tilespmem:$0xB7A0] =	vst v63  }
0x54: {  	_ =	swait.ge [sflag:s26], $0x7D0  }
.Ltmp0:
0x55: {  	[sflag:s26] =	ssyncset.done $0x0;
	(pc) =	sbr.rel @p0 .LBB2_2-.Ltmp0, $4  }
0x56: {  	s0 =	sadd.s32 $0x2880, s1;
	[sflag:s26] =	ssyncadd.s32 $0xFFFFF830  }
0x57: {  	[spmem:s3] =	stream.indirect.scatter.add.f32 [tilespmem:s23], [sflag:$0x3], $0x10, s0, s21, $0xb8;
	[tilespmem:$0xB7A0] =	vst v63  }
0x58: {  	_ =	swait.ge [sflag:s16], $0x7D0  }
0x59: {  	s1 =	sshra.s32 s28, $0x2;
	s0 =	smov.u32 s29;
	[sflag:s16] =	ssyncset.done $0x0  }
0x5a: {  	s0 =	sadd.s32 $0x80, s1;
	[sflag:s16] =	ssyncadd.s32 $0xFFFFF830  }
0x5b: {  	[tilespmem:s23], [sflag:$0x2] =	stream.indirect.gather [spmem:s2], $0x10, s0, s21, $0xb8;
	[tilespmem:$0xB7A0] =	vst v63  }
0x5c: {  	_ =	swait.ge [sflag:s24], $0x7D0  }
0x5d: {  	[sflag:s24] =	ssyncset.done $0x0  }
0x5e: {  	s28 =	sadd.s32 $0x2800, s1;
	[sflag:s24] =	ssyncadd.s32 $0xFFFFF830  }
0x5f: {  	[spmem:s3] =	stream.indirect.scatter.add.f32 [tilespmem:s22], [sflag:$0x3], $0x10, s28, s21, $0xb8;
	[tilespmem:$0xB7A0] =	vst v63  }
0x60: {  	_ =	swait.ge [sflag:s16], $0x7D0  }
0x61: {  	[sflag:s16] =	ssyncset.done $0x0  }
0x62: {  	s29 =	sadd.s32 $0x100, s1;
	[sflag:s16] =	ssyncadd.s32 $0xFFFFF830  }
0x63: {  	[tilespmem:s22], [sflag:$0x1] =	stream.indirect.gather [spmem:s2], $0x10, s29, s21, $0xb8;
	[tilespmem:$0xB7A0] =	vst v63  }
0x64: {  	_ =	swait.ge [sflag:s26], $0x7D0  }
0x65: {  	[sflag:s26] =	ssyncset.done $0x0  }
0x66: {  	s17 =	sadd.s32 $0x2880, s1;
	[sflag:s26] =	ssyncadd.s32 $0xFFFFF830  }
0x67: {  	[spmem:s3] =	stream.indirect.scatter.add.f32 [tilespmem:s23], [sflag:$0x3], $0x10, s17, s21, $0xb8;
	[tilespmem:$0xB7A0] =	vst v63  }
0x68: {  	_ =	swait.ge [sflag:s16], $0x7D0  }
0x69: {  	[sflag:s16] =	ssyncset.done $0x0  }
0x6a: {  	s28 =	simm.s32 $0x2780;
	[sflag:s16] =	ssyncadd.s32 $0xFFFFF830  }
0x6b: {  	[tilespmem:s23], [sflag:$0x2] =	stream.indirect.gather [spmem:s2], $0x10, s28, s21, $0xb8;
	[tilespmem:$0xB7A0] =	vst v63  }
0x6c: {  	_ =	swait.ge [sflag:s24], $0x7D0  }
0x6d: {  	[sflag:s24] =	ssyncset.done $0x0  }
0x6e: {  	s29 =	simm.s32 $0x4F00;
	[sflag:s24] =	ssyncadd.s32 $0xFFFFF830  }
0x6f: {  	[spmem:s3] =	stream.indirect.scatter.add.f32 [tilespmem:s22], [sflag:$0x3], $0x10, s29, s21, $0xb8;
	[tilespmem:$0xB7A0] =	vst v63  }
0x70: {  	_ =	swait.ge [sflag:s16], $0x7D0  }
0x71: {  	[sflag:s16] =	ssyncset.done $0x0  }
0x72: {  	[sflag:s16] =	ssyncadd.s32 $0xFFFFF830  }
0x73: {  	_ =	swait.ge [sflag:s26], $0x7D0  }
0x74: {  	[sflag:s26] =	ssyncset.done $0x0  }
0x75: {  	[sflag:s26] =	ssyncadd.s32 $0xFFFFF830  }
0x76: {  	[spmem:s3] =	stream.indirect.scatter.add.f32 [tilespmem:s23], [sflag:$0x3], $0x10, s30, s21, $0xb8;
	[tilespmem:$0xB7A0] =	vst v63  }
0x77: {  	_ =	swait.ge [sflag:s16], $0x7D0  }
0x78: {  	s31 =	sadd.s32 $0x1, s31;
	[sflag:s16] =	ssyncset.done $0x0  }
0x79: {  	p0 =	sne.s32 s31, s11;
	[sflag:s16] =	ssyncadd.s32 $0xFFFFF830  }
.Ltmp1:
0x7a: {  	[bflag:$0x0] =	sbarrier.arrive $0xFFFF;
	(pc) =	sbr.rel @p0 .LBB2_1-.Ltmp1, $4  }
0x7b: {  	[hbm:s10], [sflag:s19] =	dma.local [spmem:s25], $0x500  }
0x7c: {  	_ =	swait.ge [sflag:s16], $0x500  }
0x7d: {  	[sflag:s16] =	ssyncset.done $0x0  }
0x7e: {  	[sflag:s16] =	ssyncadd.s32 $0xFFFFFB00  }
0x7f: {  	_ =	sfence.sel $0x180000  }
0x80: {  	[bflag:$0x0] =	sbarrier.arrive $0xFFFF  }
0x81: {  	_ =	strace $0x9000004A  }
0x82: {  	s0 =	stileid.u32;
	[bflag:$0x2] =	sbarrier.arrive $0xFFFF  }
0x83: {  	p0 =	sne.s32 s0, $0x0;
	s0 =	rddreg [dreg:$0x4]  }
0x84: {  	s0 =	sadd.s32 @!p0 $0x100000, s0  }
0x85: {  	[sflag:s0] =	ssyncadd.tile.s32 @!p0 $0x1;
	_ =	shalt  }
.Lfunc_end2:
_tile_overlayer_lowered:
.L_overlay_start_2:
0x86: {  	(tag) =	ssettag $0x2  }
0x87: {  	s0 =	rddreg [dreg:$0x0];
	s2 =	stileid.u32  }
0x88: {  	s1 =	rddreg [dreg:$0x1];
	p0 =	sne.s32 s2, $0x0  }
0x89: {  	s3 =	rddreg [dreg:$0x2];
	[bflag:$0x3] =	sbarrier.arrive $0xFFFF;
	s2 =	simm.s32 @!p0 $0x1C03  }
0x8a: {  	[timem:s3], [sflag:s2] =	dma.local @!p0 [hbm:s0], s1  }
0x8b: {  	s0 =	simm.s32 @!p0 $0x3  }
0x8c: {  	_ =	swait.ge @!p0 [sflag:s0], s1  }
0x8d: {  	s1 =	ssub.s32 @!p0 $0x0, s1;
	[sflag:s0] =	ssyncset.done @!p0 $0x0  }
0x8e: {  	[sflag:s0] =	ssyncadd.s32 @!p0 s1  }
0x8f: {  	[bflag:$0x3] =	sbarrier.arrive $0xFFFF  }
0x90: {  	_ =	shalt  }

// kernel: kernel.14.cloned.1.call-start
scs
__scs_entry_jumppad:
0x0: {  	(pc) =	sbr.rel $0x88, $3  }
0x1: {  	(tag) =	ssettag $0x0;
	lr =	simm.s32 $0x1  }
0x2: {  	[smem:$0x3F9B] =	sst lr;
	_ =	strace $0xD0000000  }
0x3: {  	_ = 	snop  }
0x4: {  	_ = 	snop  }
0x5: {  	_ = 	snop  }
0x6: {  	_ = 	snop  }
0x7: {  	_ = 	snop  }
__scs_overlays_trampoline_lowered:
0x8: {  	[smem:$0x3FAA] =	sst s0  }
0x9: {  	[smem:$0x3FAB] =	sst s1  }
0xa: {  	[smem:$0x3FAC] =	sst s2  }
0xb: {  	[smem:$0x3FAD] =	sst s3  }
0xc: {  	[smem:$0x3FAE] =	sst s4  }
0xd: {  	[smem:$0x3FAF] =	sst s5  }
0xe: {  	[smem:$0x3FB0] =	sst s6  }
0xf: {  	[smem:$0x3FB1] =	sst s7  }
0x10: {  	[smem:$0x3FB2] =	sst s8  }
0x11: {  	[smem:$0x3FB3] =	sst s9;
	s0 =	simm.s32 @!p0 $0x0  }
0x12: {  	s1 =	sld [smem:$0x3F99];
	s0 =	simm.s32 @p0 $0x1  }
0x13: {  	[smem:$0x3FB4] =	sst s0;
	s0 =	simm.s32 @!p1 $0x0  }
0x14: {  	s2 =	sld [smem:$0x3F98];
	s0 =	simm.s32 @p1 $0x1  }
0x15: {  	[smem:$0x3FB5] =	sst s0;
	s0 =	simm.s32 @!p2 $0x0  }
0x16: {  	s3 =	sld [smem:$0x3FDB];
	s0 =	simm.s32 @p2 $0x1  }
0x17: {  	s4 =	simm.s32 $0x1BF5;
	[smem:$0x3FB7] =	sst s0  }
0x18: {  	s0 =	sld [smem:$0x3F9A];
	_ =	swait.ge [sflag:s4], $0x0  }
0x19: {  	s7 =	sld [smem:$0x3F9B]  }
0x1a: {  	s8 =	sadd.s32 $0xFFFFE003, lr  }
0x1b: {  	s9 =	sadd.s32 $0xFFFFFEF7, lr;
	s5 =	simm.s32 $0xFFFFFFFF;
	p2 =	slt.u32 s8, $0xFFFFF086  }
0x1c: {  	p1 =	slt.u32 s9, $0xF7A;
	s5 =	simm.s32 @!p2 $0x0  }
0x1d: {  	s5 =	simm.s32 @p1 $0x1;
	p0 =	seq.s32 s7, s2  }
0x1e: {  	s7 =	smul.u32 @!p0 $0xF7A, s2;
	p2 =	seq.s32 @!p0 s5, $0x0  }
0x1f: {  	s9 =	smul.u32 $0xF7A, s1;
	s8 =	simm.s32 @!p0 $0x1BF5;
	p2 =	por !p2, p0  }
0x20: {  	[sflag:s8] =	ssyncset.s32 @!p0 $0xFFFFF086;
	s6 =	sadd.s32 @!p0 s3, s7;
	s7 =	simm.s32 @!p0 $0x108  }
0x21: {  	s3 =	sadd.s32 s3, s9;
	s6 =	sadd.s32 @!p0 $0x88, s6;
	s7 =	simm.s32 @p2 $0x1082  }
0x22: {  	[simem:s7], [sflag:s8] =	dma.local @!p0 [hbm:s6], $0xF7A  }
0x23: {  	s9 =	sor.u32 $0xD0000000, s2;
	s6 =	simm.s32 $0x108;
	_ =	swait.ge @!p0 [sflag:s8], $0x0  }
0x24: {  	s3 =	sadd.s32 $0x88, s3;
	s6 =	simm.s32 @!p1 $0x1082;
	[sflag:s4] =	ssyncset.s32 $0xFFFFF086  }
0x25: {  	[simem:s6], [sflag:s4] =	dma.local [hbm:s3], $0xF7A  }
0x26: {  	[smem:$0x3F9B] =	sst s1;
	(tag) =	ssettag s2;
	_ =	strace s9  }
0x27: {  	s1 =	sld [smem:$0x3FAB]  }
0x28: {  	s2 =	sld [smem:$0x3FAC]  }
0x29: {  	s4 =	sld [smem:$0x3FAE]  }
0x2a: {  	p0 =	seq.s32 s5, $0x0;
	s5 =	sld [smem:$0x3FAF]  }
0x2b: {  	s6 =	sld [smem:$0x3FB0]  }
0x2c: {  	s7 =	sld [smem:$0x3FB1]  }
0x2d: {  	s3 =	simm.s32 $0x108;
	s8 =	sld [smem:$0x3FB2]  }
0x2e: {  	s3 =	simm.s32 @!p0 $0x1082;
	s9 =	sld [smem:$0x3FB3]  }
0x2f: {  	lr =	sadd.s32 s0, s3;
	s0 =	sld [smem:$0x3FAA]  }
0x30: {  	s3 =	sld [smem:$0x3FAD]  }
0x31: {  	[smem:$0x3FB6] =	sst s10  }
0x32: {  	s10 =	sld [smem:$0x3FB4];
	_ =	sdelay $0x3  }
0x33: {  	p0 =	seq.s32 s10, $0x1;
	s10 =	sld [smem:$0x3FB6];
	_ =	sdelay $0x3  }
0x34: {  	[smem:$0x3FB6] =	sst s10  }
0x35: {  	s10 =	sld [smem:$0x3FB5];
	_ =	sdelay $0x3  }
0x36: {  	p1 =	seq.s32 s10, $0x1;
	s10 =	sld [smem:$0x3FB6];
	_ =	sdelay $0x3  }
0x37: {  	[smem:$0x3FB6] =	sst s10  }
0x38: {  	s10 =	sld [smem:$0x3FB7]  }
0x39: {  	_ = 	snop;
	(pc) =	sbr.ind lr, $3  }
0x3a: {  	_ = 	snop  }
0x3b: {  	_ = 	snop  }
0x3c: {  	p2 =	seq.s32 s10, $0x1;
	s10 =	sld [smem:$0x3FB6]  }
0x3d: {  	_ =	shalt  }
0x3e: {  	_ =	shalt  }
0x3f: {  	_ =	shalt  }
0x40: {  	_ =	shalt  }
0x41: {  	_ =	shalt  }
0x42: {  	_ =	shalt  }
0x43: {  	_ =	shalt  }
0x44: {  	_ =	shalt  }
0x45: {  	_ =	shalt  }
0x46: {  	_ =	shalt  }
0x47: {  	_ =	shalt  }
0x48: {  	_ =	shalt  }
0x49: {  	_ =	shalt  }
0x4a: {  	_ =	shalt  }
0x4b: {  	_ =	shalt  }
0x4c: {  	_ =	shalt  }
0x4d: {  	_ =	shalt  }
0x4e: {  	_ =	shalt  }
0x4f: {  	_ =	shalt  }
0x50: {  	_ =	shalt  }
0x51: {  	_ =	shalt  }
0x52: {  	_ =	shalt  }
0x53: {  	_ =	shalt  }
0x54: {  	_ =	shalt  }
0x55: {  	_ =	shalt  }
0x56: {  	_ =	shalt  }
0x57: {  	_ =	shalt  }
0x58: {  	_ =	shalt  }
0x59: {  	_ =	shalt  }
0x5a: {  	_ =	shalt  }
0x5b: {  	_ =	shalt  }
0x5c: {  	_ =	shalt  }
0x5d: {  	_ =	shalt  }
0x5e: {  	_ =	shalt  }
0x5f: {  	_ =	shalt  }
0x60: {  	_ =	shalt  }
0x61: {  	_ =	shalt  }
0x62: {  	_ =	shalt  }
0x63: {  	_ =	shalt  }
0x64: {  	_ =	shalt  }
0x65: {  	_ =	shalt  }
0x66: {  	_ =	shalt  }
0x67: {  	_ =	shalt  }
0x68: {  	_ =	shalt  }
0x69: {  	_ =	shalt  }
0x6a: {  	_ =	shalt  }
0x6b: {  	_ =	shalt  }
0x6c: {  	_ =	shalt  }
0x6d: {  	_ =	shalt  }
0x6e: {  	_ =	shalt  }
0x6f: {  	_ =	shalt  }
0x70: {  	_ =	shalt  }
0x71: {  	_ =	shalt  }
0x72: {  	_ =	shalt  }
0x73: {  	_ =	shalt  }
0x74: {  	_ =	shalt  }
0x75: {  	_ =	shalt  }
0x76: {  	_ =	shalt  }
0x77: {  	_ =	shalt  }
0x78: {  	_ =	shalt  }
0x79: {  	_ =	shalt  }
0x7a: {  	_ =	shalt  }
0x7b: {  	_ =	shalt  }
0x7c: {  	_ =	shalt  }
0x7d: {  	_ =	shalt  }
0x7e: {  	_ =	shalt  }
0x7f: {  	_ =	shalt  }
0x80: {  	_ =	shalt  }
0x81: {  	_ =	shalt  }
0x82: {  	_ =	shalt  }
0x83: {  	_ =	shalt  }
0x84: {  	_ =	shalt  }
0x85: {  	_ =	shalt  }
0x86: {  	_ =	shalt  }
0x87: {  	_ =	shalt  }
.Lfunc_end0:
.L_simem_size_0:
called_computation.2_lowered:
.L_overlay_start_0:
0x88: {  	s2 =	sld [smem:$0x3FD9]  }
0x89: {  	s3 =	sld [smem:$0x3FFE];
	_ =	sdelay $0x1  }
0x8a: {  	s1 =	srdreg.scid  }
0x8b: {  	s0 =	sand.u32 $0x1, s1  }
0x8c: {  	s17 =	sshll.u32 s0, $0xA;
	s2 =	sadd.s32 s3, s2  }
0x8d: {  	s2 =	sadd.s32 s2, s17  }
0x8e: {  	[smem:$0x3FC2] =	sst s2  }
0x8f: {  	_ = 	snop  }
0x90: {  	s2 =	sld [smem:$0x3FD0];
	(tm) =	ssettm $0x1  }
0x91: {  	s18 =	sld [smem:$0x3FFB];
	_ =	sdelay $0x3  }
0x92: {  	_ =	strace s18  }
0x93: {  	s3 =	sld [smem:$0x3FFC];
	_ =	sdelay $0x3  }
0x94: {  	_ =	strace s3  }
0x95: {  	s3 =	sld [smem:$0x3FFD];
	_ =	sdelay $0x3  }
0x96: {  	_ =	strace s3  }
0x97: {  	_ =	strace $0x8FFFFFFF  }
0x98: {  	s19 =	sld [smem:$0x3FDB];
	_ =	sdelay $0x1  }
0x99: {  	s4 =	simm.s32 $_scs_section_size  }
0x9a: {  	s5 =	simm.s32 $_size__tile_overlayer_lowered;
	s6 =	simm.s32 $_tile_overlayer_lowered  }
0x9b: {  	s22 =	simm.s32 $0x1BFF;
	s21 =	sshll.u32 s6, $0x1;
	s3 =	sadd.s32 s4, s19  }
0x9c: {  	s7 =	simm.s32 $0x0;
	s20 =	sshll.u32 s5, $0x1;
	s5 =	sadd.s32 s21, s3  }
0x9d: {  	[timem:s7], [sflag:s22] =	dma.local [hbm:s5], s20  }
0x9e: {  	_ =	swait.ge [sflag:s22], s20  }
0x9f: {  	s4 =	ssub.s32 $0x0, s20;
	[sflag:s22] =	ssyncset.done $0x0  }
0xa0: {  	[sflag:s22] =	ssyncadd.s32 s4;
	_ =	sdelay $0x1  }
0xa1: {  	s23 =	simm.s32 $0x1B8B  }
0xa2: {  	_ =	swait.ge [sflag:s23], $0x1  }
0xa3: {  	[sflag:s23] =	ssyncset.done $0x0  }
0xa4: {  	s25 =	simm.s32 $0x1B8E;
	s24 =	sld [smem:$0x3FFE];
	[sflag:s23] =	ssyncadd.s32 $0xFFFFFFFF  }
0xa5: {  	s26 =	simm.s32 $execute0_lowered;
	[smem:$0x3FD2] =	sst s25  }
0xa6: {  	s5 =	sshll.u32 s26, $0x1;
	_ =	strace $0x8000004C;
	[dreg:$0x1] =	wrdreg $0xFFFFFFFF  }
0xa7: {  	s28 =	simm.s32 $_size_execute0_lowered;
	s3 =	sadd.s32 s3, s5;
	[dreg:$0x0] =	wrdreg $0x0  }
0xa8: {  	s5 =	sshll.u32 s28, $0x1;
	[dreg:$0x2] =	wrdreg s3  }
0xa9: {  	[dreg:$0x3] =	wrdreg s5  }
0xaa: {  	[dreg:$0x4] =	wrdreg $0xC0  }
0xab: {  	_ =	task [dreg:s7], $0x5FFFF  }
0xac: {  	[dreg:$0x1] =	wrdreg $0xFFFFFFFF  }
0xad: {  	[dreg:$0x0] =	wrdreg $0x60  }
0xae: {  	[dreg:$0x2] =	wrdreg s24  }
0xaf: {  	[dreg:$0x3] =	wrdreg s2  }
0xb0: {  	[dreg:$0x4] =	wrdreg $0x8FA00  }
0xb1: {  	[dreg:$0x5] =	wrdreg $0x67A00  }
0xb2: {  	[dreg:$0x6] =	wrdreg $0x9  }
0xb3: {  	_ =	task.clear_ibuf [dreg:s7], $0x7FFFF;
	_ =	strace $0x9000004C  }
0xb4: {  	s29 =	simm.s32 $0x9;
	_ =	strace $0x8000004E  }
0xb5: {  	_ =	swait.ge [sflag:s29], $0x1  }
0xb6: {  	[sflag:s29] =	ssyncadd.s32 $0xFFFFFFFF  }
0xb7: {  	_ =	strace $0x9000004E  }
0xb8: {  	_ =	sfence  }
0xb9: {  	s30 =	sld [smem:$0x0];
	_ =	sdelay $0x2  }
0xba: {  	s31 =	sshll.u32 s1, $0xD;
	s1 =	sshrl.u32 s1, $0x2  }
0xbb: {  	s3 =	sand.u32 $0x4000, s31;
	s1 =	sadd.s32 s1, s30  }
0xbc: {  	s0 =	sor.u32 s3, s0;
	s1 =	sshll.u32 s1, $0x11  }
0xbd: {  	s0 =	sor.u32 s1, s0  }
0xbe: {  	s0 =	sadd.s32 $0x8F2B, s0  }
0xbf: {  	[sflag:s0] =	ssyncadd.remote.s32 $0x1  }
0xc0: {  	_ =	sfence.sel $0xFFFF  }
0xc1: {  	[dreg:$0x0] =	wrdreg $0xFFFFFFFF;
	(pc) =	sbr.abs _section_cstart, $3  }
0xc2: {  	[dreg:$0x1] =	wrdreg $0xFFFFFFFF  }
0xc3: {  	_ =	task.clear_ibuf [dreg:s7], $0x2FFFF;
	_ =	strace $0x9FFFFFFF  }
0xc4: {  	(tm) =	ssettm $0x7FFFFFFF  }
0xc5: {  	_ =	shalt  }
tec
execute0_lowered:
.L_overlay_start_1:
0x0: {  	(tag) =	ssettag $0x1  }
0x1: {  	s0 =	rddreg [dreg:$0x0];
	s1 =	srdreg.scid  }
0x2: {  	s17 =	stileid.u32;
	s10 =	rddreg [dreg:$0x1]  }
0x3: {  	s2 =	rddreg [dreg:$0x2];
	s16 =	simm.s32 $0x3;
	s18 =	simm.s32 $0x5FA0  }
0x4: {  	s21 =	simm.s32 $0x7D;
	s22 =	simm.s32 $0x5000;
	s23 =	simm.s32 $0x57D0  }
0x5: {  	s30 =	simm.s32 $0x4F80;
	s31 =	simm.s32 $0x0;
	s11 =	smul.u32 $0x2800, s17  }
0x6: {  	s1 =	sand.u32 $0x1, s1;
	s3 =	sshll.u32 s17, $0x1;
	s9 =	smul.u32 $0x500, s17  }
0x7: {  	s13 =	smul.u32 $0xA000, s17;
	s29 =	sshll.u32 s17, $0x6;
	s4 =	sor.u32 s1, s3  }
0x8: {  	s3 =	rddreg [dreg:$0x3];
	s6 =	ssub.s32 $0x2, s1;
	s1 =	smul.u32 $0x5000, s1  }
0x9: {  	s19 =	sor.u32 $0x1C03, s29;
	s5 =	smul.u32 $0x2800, s4;
	s4 =	simm.s32 $0x0  }
0xa: {  	s24 =	sshrl.u32 s11, $0x3;
	s12 =	sshrl.u32 s6, $0x1;
	s20 =	sadd.s32 s11, s2  }
0xb: {  	s26 =	sshrl.u32 s13, $0x2;
	s28 =	sadd.s32 s11, s3;
	[smem:$0x7FF] =	sst s4  }
0xc: {  	s8 =	sadd.s32 s24, s0;
	s25 =	ssub.s32 s6, s12;
	s1 =	sadd.s32 s9, s1  }
0xd: {  	s9 =	sadd.s32 s26, s3;
	s20 =	sshrl.u32 s20, $0x3;
	s24 =	simm.s32 $0x1  }
0xe: {  	s26 =	simm.s32 $0x2;
	s5 =	sshrl.u32 s5, $0x3;
	_ =	strace $0x8000004D  }
0xf: {  	s8 =	sadd.s32 $0x16C00, s8;
	s10 =	sadd.s32 s10, s1;
	s11 =	smax.u32 s25, $0x1  }
0x10: {  	s12 =	sadd.s32 $0x800, s9;
	s13 =	sadd.s32 $0x1000, s9;
	s14 =	sadd.s32 $0x1800, s9  }
0x11: {  	s15 =	sadd.s32 $0x2000, s9;
	s25 =	sshrl.u32 s28, $0x3;
	s7 =	sadd.s32 s5, s0  }
0x12: {  	s5 =	sadd.s32 $0x16A00, s0;
	s6 =	sadd.s32 $0x2A00, s7;
	s7 =	sadd.s32 $0xCA00, s7  }
.LBB2_1:
0x13: {  	[tilespmem:s4], [sflag:$0x3] =	stream.linear.gather [hbm4b:s6+s4], $0x2800, $0x38;
	[tilespmem:$0xB7A0] =	vst v63  }
0x14: {  	_ =	swait.ge [sflag:s16], $0x2800  }
0x15: {  	[sflag:s16] =	ssyncset.done $0x0  }
0x16: {  	s0 =	simm.s32 $0x2800;
	[sflag:s16] =	ssyncadd.s32 $0xFFFFD800  }
0x17: {  	[tilespmem:s0], [sflag:$0x3] =	stream.linear.gather [hbm4b:s7+s4], $0x2800, $0x38;
	[tilespmem:$0xB7A0] =	vst v63  }
0x18: {  	_ =	swait.ge [sflag:s16], $0x2800  }
0x19: {  	[sflag:s16] =	ssyncset.done $0x0  }
0x1a: {  	[sflag:s16] =	ssyncadd.s32 $0xFFFFD800  }
0x1b: {  	[tilespmem:s18], [sflag:$0x3] =	stream.linear.gather [hbm4b:s5+s4], $0x800, $0x38;
	[tilespmem:$0xB7A0] =	vst v63  }
0x1c: {  	_ =	swait.ge [sflag:s16], $0x800  }
0x1d: {  	[sflag:s16] =	ssyncset.done $0x0  }
0x1e: {  	[sflag:s16] =	ssyncadd.s32 $0xFFFFF800  }
0x1f: {  	[spmem:s20], [sflag:s19] =	dma.local [hbm:s8], $0x500  }
0x20: {  	_ =	swait.ge [sflag:s16], $0x500  }
0x21: {  	[sflag:s16] =	ssyncset.done $0x0  }
0x22: {  	[sflag:s16] =	ssyncadd.s32 $0xFFFFFB00  }
0x23: {  	[spmem:s9] =	stream.linear.scatter [tilespmem:s18], [sflag:$0x3], $0x800, $0x38;
	[tilespmem:$0xB7A0] =	vst v63  }
0x24: {  	_ =	swait.ge [sflag:s16], $0x800  }
0x25: {  	[sflag:s16] =	ssyncset.done $0x0  }
0x26: {  	[sflag:s16] =	ssyncadd.s32 $0xFFFFF800  }
0x27: {  	[spmem:s12] =	stream.linear.scatter [tilespmem:s18], [sflag:$0x3], $0x800, $0x38;
	[tilespmem:$0xB7A0] =	vst v63  }
0x28: {  	_ =	swait.ge [sflag:s16], $0x800  }
0x29: {  	[sflag:s16] =	ssyncset.done $0x0  }
0x2a: {  	[sflag:s16] =	ssyncadd.s32 $0xFFFFF800  }
0x2b: {  	[spmem:s13] =	stream.linear.scatter [tilespmem:s18], [sflag:$0x3], $0x800, $0x38;
	[tilespmem:$0xB7A0] =	vst v63  }
0x2c: {  	_ =	swait.ge [sflag:s16], $0x800  }
0x2d: {  	[sflag:s16] =	ssyncset.done $0x0  }
0x2e: {  	[sflag:s16] =	ssyncadd.s32 $0xFFFFF800  }
0x2f: {  	[spmem:s14] =	stream.linear.scatter [tilespmem:s18], [sflag:$0x3], $0x800, $0x38;
	[tilespmem:$0xB7A0] =	vst v63  }
0x30: {  	_ =	swait.ge [sflag:s16], $0x800  }
0x31: {  	[sflag:s16] =	ssyncset.done $0x0  }
0x32: {  	[sflag:s16] =	ssyncadd.s32 $0xFFFFF800  }
0x33: {  	[spmem:s15] =	stream.linear.scatter [tilespmem:s18], [sflag:$0x3], $0x800, $0x38;
	[tilespmem:$0xB7A0] =	vst v63  }
0x34: {  	_ =	swait.ge [sflag:s16], $0x800  }
0x35: {  	[sflag:s16] =	ssyncset.done $0x0  }
0x36: {  	[sflag:s16] =	ssyncadd.s32 $0xFFFFF800  }
0x37: {  	[bflag:$0x0] =	sbarrier.arrive $0xFFFF  }
0x38: {  	[tilespmem:s22], [sflag:$0x1] =	stream.indirect.gather [spmem:s2], $0x10, s4, s21, $0xb8;
	[tilespmem:$0xB7A0] =	vst v63  }
0x39: {  	s1 =	simm.s32 $0x80  }
0x3a: {  	[tilespmem:s23], [sflag:$0x2] =	stream.indirect.gather [spmem:s2], $0x10, s1, s21, $0xb8;
	[tilespmem:$0xB7A0] =	vst v63  }
0x3b: {  	_ =	swait.ge [sflag:s24], $0x7D0  }
0x3c: {  	[sflag:s24] =	ssyncset.done $0x0  }
0x3d: {  	s17 =	simm.s32 $0x2800;
	[sflag:s24] =	ssyncadd.s32 $0xFFFFF830  }
0x3e: {  	[spmem:s3] =	stream.indirect.scatter.add.f32 [tilespmem:s22], [sflag:$0x3], $0x10, s17, s21, $0xb8;
	[tilespmem:$0xB7A0] =	vst v63  }
0x3f: {  	_ =	swait.ge [sflag:s16], $0x7D0  }
0x40: {  	[sflag:s16] =	ssyncset.done $0x0  }
0x41: {  	s28 =	simm.s32 $0x100;
	[sflag:s16] =	ssyncadd.s32 $0xFFFFF830  }
0x42: {  	[tilespmem:s22], [sflag:$0x1] =	stream.indirect.gather [spmem:s2], $0x10, s28, s21, $0xb8;
	[tilespmem:$0xB7A0] =	vst v63  }
0x43: {  	_ =	swait.ge [sflag:s26], $0x7D0  }
0x44: {  	[sflag:s26] =	ssyncset.done $0x0  }
0x45: {  	s29 =	simm.s32 $0x2880;
	[sflag:s26] =	ssyncadd.s32 $0xFFFFF830  }
0x46: {  	[spmem:s3] =	stream.indirect.scatter.add.f32 [tilespmem:s23], [sflag:$0x3], $0x10, s29, s21, $0xb8;
	[tilespmem:$0xB7A0] =	vst v63  }
0x47: {  	_ =	swait.ge [sflag:s16], $0x7D0  }
0x48: {  	s0 =	simm.s32 $0x800;
	s1 =	simm.s32 $0x100;
	[sflag:s16] =	ssyncset.done $0x0  }
.LBB2_2:
0x49: {  	s17 =	sadd.s32 $0x80, s1  }
0x4a: {  	[sflag:s16] =	ssyncadd.s32 $0xFFFFF830;
	s28 =	smov.u32 s0;
	s29 =	sadd.s32 $0x400, s0  }
0x4b: {  	[tilespmem:s23], [sflag:$0x2] =	stream.indirect.gather [spmem:s2], $0x10, s17, s21, $0xb8;
	[tilespmem:$0xB7A0] =	vst v63  }
0x4c: {  	p0 =	sne.s32 s0, $0x9800;
	_ =	swait.ge [sflag:s24], $0x7D0  }
0x4d: {  	[sflag:s24] =	ssyncset.done $0x0  }
0x4e: {  	s0 =	sadd.s32 $0x2800, s1;
	[sflag:s24] =	ssyncadd.s32 $0xFFFFF830  }
0x4f: {  	[spmem:s3] =	stream.indirect.scatter.add.f32 [tilespmem:s22], [sflag:$0x3], $0x10, s0, s21, $0xb8;
	[tilespmem:$0xB7A0] =	vst v63  }
0x50: {  	_ =	swait.ge [sflag:s16], $0x7D0  }
0x51: {  	[sflag:s16] =	ssyncset.done $0x0  }
0x52: {  	s0 =	sadd.s32 $0x100, s1;
	[sflag:s16] =	ssyncadd.s32 $0xFFFFF830  }
0x53: {  	[tilespmem:s22], [sflag:$0x1] =	stream.indirect.gather [spmem:s2], $0x10, s0, s21, $0xb8;
	[tilespmem:$0xB7A0] =	vst v63  }
0x54: {  	_ =	swait.ge [sflag:s26], $0x7D0  }
.Ltmp0:
0x55: {  	[sflag:s26] =	ssyncset.done $0x0;
	(pc) =	sbr.rel @p0 .LBB2_2-.Ltmp0, $4  }
0x56: {  	s0 =	sadd.s32 $0x2880, s1;
	[sflag:s26] =	ssyncadd.s32 $0xFFFFF830  }
0x57: {  	[spmem:s3] =	stream.indirect.scatter.add.f32 [tilespmem:s23], [sflag:$0x3], $0x10, s0, s21, $0xb8;
	[tilespmem:$0xB7A0] =	vst v63  }
0x58: {  	_ =	swait.ge [sflag:s16], $0x7D0  }
0x59: {  	s1 =	sshra.s32 s28, $0x2;
	s0 =	smov.u32 s29;
	[sflag:s16] =	ssyncset.done $0x0  }
0x5a: {  	s0 =	sadd.s32 $0x80, s1;
	[sflag:s16] =	ssyncadd.s32 $0xFFFFF830  }
0x5b: {  	[tilespmem:s23], [sflag:$0x2] =	stream.indirect.gather [spmem:s2], $0x10, s0, s21, $0xb8;
	[tilespmem:$0xB7A0] =	vst v63  }
0x5c: {  	_ =	swait.ge [sflag:s24], $0x7D0  }
0x5d: {  	[sflag:s24] =	ssyncset.done $0x0  }
0x5e: {  	s28 =	sadd.s32 $0x2800, s1;
	[sflag:s24] =	ssyncadd.s32 $0xFFFFF830  }
0x5f: {  	[spmem:s3] =	stream.indirect.scatter.add.f32 [tilespmem:s22], [sflag:$0x3], $0x10, s28, s21, $0xb8;
	[tilespmem:$0xB7A0] =	vst v63  }
0x60: {  	_ =	swait.ge [sflag:s16], $0x7D0  }
0x61: {  	[sflag:s16] =	ssyncset.done $0x0  }
0x62: {  	s29 =	sadd.s32 $0x100, s1;
	[sflag:s16] =	ssyncadd.s32 $0xFFFFF830  }
0x63: {  	[tilespmem:s22], [sflag:$0x1] =	stream.indirect.gather [spmem:s2], $0x10, s29, s21, $0xb8;
	[tilespmem:$0xB7A0] =	vst v63  }
0x64: {  	_ =	swait.ge [sflag:s26], $0x7D0  }
0x65: {  	[sflag:s26] =	ssyncset.done $0x0  }
0x66: {  	s17 =	sadd.s32 $0x2880, s1;
	[sflag:s26] =	ssyncadd.s32 $0xFFFFF830  }
0x67: {  	[spmem:s3] =	stream.indirect.scatter.add.f32 [tilespmem:s23], [sflag:$0x3], $0x10, s17, s21, $0xb8;
	[tilespmem:$0xB7A0] =	vst v63  }
0x68: {  	_ =	swait.ge [sflag:s16], $0x7D0  }
0x69: {  	[sflag:s16] =	ssyncset.done $0x0  }
0x6a: {  	s28 =	simm.s32 $0x2780;
	[sflag:s16] =	ssyncadd.s32 $0xFFFFF830  }
0x6b: {  	[tilespmem:s23], [sflag:$0x2] =	stream.indirect.gather [spmem:s2], $0x10, s28, s21, $0xb8;
	[tilespmem:$0xB7A0] =	vst v63  }
0x6c: {  	_ =	swait.ge [sflag:s24], $0x7D0  }
0x6d: {  	[sflag:s24] =	ssyncset.done $0x0  }
0x6e: {  	s29 =	simm.s32 $0x4F00;
	[sflag:s24] =	ssyncadd.s32 $0xFFFFF830  }
0x6f: {  	[spmem:s3] =	stream.indirect.scatter.add.f32 [tilespmem:s22], [sflag:$0x3], $0x10, s29, s21, $0xb8;
	[tilespmem:$0xB7A0] =	vst v63  }
0x70: {  	_ =	swait.ge [sflag:s16], $0x7D0  }
0x71: {  	[sflag:s16] =	ssyncset.done $0x0  }
0x72: {  	[sflag:s16] =	ssyncadd.s32 $0xFFFFF830  }
0x73: {  	_ =	swait.ge [sflag:s26], $0x7D0  }
0x74: {  	[sflag:s26] =	ssyncset.done $0x0  }
0x75: {  	[sflag:s26] =	ssyncadd.s32 $0xFFFFF830  }
0x76: {  	[spmem:s3] =	stream.indirect.scatter.add.f32 [tilespmem:s23], [sflag:$0x3], $0x10, s30, s21, $0xb8;
	[tilespmem:$0xB7A0] =	vst v63  }
0x77: {  	_ =	swait.ge [sflag:s16], $0x7D0  }
0x78: {  	s31 =	sadd.s32 $0x1, s31;
	[sflag:s16] =	ssyncset.done $0x0  }
0x79: {  	p0 =	sne.s32 s31, s11;
	[sflag:s16] =	ssyncadd.s32 $0xFFFFF830  }
.Ltmp1:
0x7a: {  	[bflag:$0x0] =	sbarrier.arrive $0xFFFF;
	(pc) =	sbr.rel @p0 .LBB2_1-.Ltmp1, $4  }
0x7b: {  	[hbm:s10], [sflag:s19] =	dma.local [spmem:s25], $0x500  }
0x7c: {  	_ =	swait.ge [sflag:s16], $0x500  }
0x7d: {  	[sflag:s16] =	ssyncset.done $0x0  }
0x7e: {  	[sflag:s16] =	ssyncadd.s32 $0xFFFFFB00  }
0x7f: {  	_ =	sfence.sel $0x180000  }
0x80: {  	[bflag:$0x0] =	sbarrier.arrive $0xFFFF  }
0x81: {  	_ =	strace $0x9000004D  }
0x82: {  	s0 =	stileid.u32;
	[bflag:$0x2] =	sbarrier.arrive $0xFFFF  }
0x83: {  	p0 =	sne.s32 s0, $0x0;
	s0 =	rddreg [dreg:$0x4]  }
0x84: {  	s0 =	sadd.s32 @!p0 $0x100000, s0  }
0x85: {  	[sflag:s0] =	ssyncadd.tile.s32 @!p0 $0x1;
	_ =	shalt  }
.Lfunc_end2:
_tile_overlayer_lowered:
.L_overlay_start_2:
0x86: {  	(tag) =	ssettag $0x2  }
0x87: {  	s0 =	rddreg [dreg:$0x0];
	s2 =	stileid.u32  }
0x88: {  	s1 =	rddreg [dreg:$0x1];
	p0 =	sne.s32 s2, $0x0  }
0x89: {  	s3 =	rddreg [dreg:$0x2];
	[bflag:$0x3] =	sbarrier.arrive $0xFFFF;
	s2 =	simm.s32 @!p0 $0x1C03  }
0x8a: {  	[timem:s3], [sflag:s2] =	dma.local @!p0 [hbm:s0], s1  }
0x8b: {  	s0 =	simm.s32 @!p0 $0x3  }
0x8c: {  	_ =	swait.ge @!p0 [sflag:s0], s1  }
0x8d: {  	s1 =	ssub.s32 @!p0 $0x0, s1;
	[sflag:s0] =	ssyncset.done @!p0 $0x0  }
0x8e: {  	[sflag:s0] =	ssyncadd.s32 @!p0 s1  }
0x8f: {  	[bflag:$0x3] =	sbarrier.arrive $0xFFFF  }
0x90: {  	_ =	shalt  }

// kernel: kernel.8.cloned.1.call-start
scs
__scs_entry_jumppad:
0x0: {  	(pc) =	sbr.rel $0x88, $3  }
0x1: {  	(tag) =	ssettag $0x0;
	lr =	simm.s32 $0x1  }
0x2: {  	[smem:$0x3F9B] =	sst lr;
	_ =	strace $0xD0000000  }
0x3: {  	_ = 	snop  }
0x4: {  	_ = 	snop  }
0x5: {  	_ = 	snop  }
0x6: {  	_ = 	snop  }
0x7: {  	_ = 	snop  }
__scs_overlays_trampoline_lowered:
0x8: {  	[smem:$0x3FAA] =	sst s0  }
0x9: {  	[smem:$0x3FAB] =	sst s1  }
0xa: {  	[smem:$0x3FAC] =	sst s2  }
0xb: {  	[smem:$0x3FAD] =	sst s3  }
0xc: {  	[smem:$0x3FAE] =	sst s4  }
0xd: {  	[smem:$0x3FAF] =	sst s5  }
0xe: {  	[smem:$0x3FB0] =	sst s6  }
0xf: {  	[smem:$0x3FB1] =	sst s7  }
0x10: {  	[smem:$0x3FB2] =	sst s8  }
0x11: {  	[smem:$0x3FB3] =	sst s9;
	s0 =	simm.s32 @!p0 $0x0  }
0x12: {  	s1 =	sld [smem:$0x3F99];
	s0 =	simm.s32 @p0 $0x1  }
0x13: {  	[smem:$0x3FB4] =	sst s0;
	s0 =	simm.s32 @!p1 $0x0  }
0x14: {  	s2 =	sld [smem:$0x3F98];
	s0 =	simm.s32 @p1 $0x1  }
0x15: {  	[smem:$0x3FB5] =	sst s0;
	s0 =	simm.s32 @!p2 $0x0  }
0x16: {  	s3 =	sld [smem:$0x3FDB];
	s0 =	simm.s32 @p2 $0x1  }
0x17: {  	s4 =	simm.s32 $0x1BF5;
	[smem:$0x3FB7] =	sst s0  }
0x18: {  	s0 =	sld [smem:$0x3F9A];
	_ =	swait.ge [sflag:s4], $0x0  }
0x19: {  	s7 =	sld [smem:$0x3F9B]  }
0x1a: {  	s8 =	sadd.s32 $0xFFFFE003, lr  }
0x1b: {  	s9 =	sadd.s32 $0xFFFFFEF7, lr;
	s5 =	simm.s32 $0xFFFFFFFF;
	p2 =	slt.u32 s8, $0xFFFFF086  }
0x1c: {  	p1 =	slt.u32 s9, $0xF7A;
	s5 =	simm.s32 @!p2 $0x0  }
0x1d: {  	s5 =	simm.s32 @p1 $0x1;
	p0 =	seq.s32 s7, s2  }
0x1e: {  	s7 =	smul.u32 @!p0 $0xF7A, s2;
	p2 =	seq.s32 @!p0 s5, $0x0  }
0x1f: {  	s9 =	smul.u32 $0xF7A, s1;
	s8 =	simm.s32 @!p0 $0x1BF5;
	p2 =	por !p2, p0  }
0x20: {  	[sflag:s8] =	ssyncset.s32 @!p0 $0xFFFFF086;
	s6 =	sadd.s32 @!p0 s3, s7;
	s7 =	simm.s32 @!p0 $0x108  }
0x21: {  	s3 =	sadd.s32 s3, s9;
	s6 =	sadd.s32 @!p0 $0x88, s6;
	s7 =	simm.s32 @p2 $0x1082  }
0x22: {  	[simem:s7], [sflag:s8] =	dma.local @!p0 [hbm:s6], $0xF7A  }
0x23: {  	s9 =	sor.u32 $0xD0000000, s2;
	s6 =	simm.s32 $0x108;
	_ =	swait.ge @!p0 [sflag:s8], $0x0  }
0x24: {  	s3 =	sadd.s32 $0x88, s3;
	s6 =	simm.s32 @!p1 $0x1082;
	[sflag:s4] =	ssyncset.s32 $0xFFFFF086  }
0x25: {  	[simem:s6], [sflag:s4] =	dma.local [hbm:s3], $0xF7A  }
0x26: {  	[smem:$0x3F9B] =	sst s1;
	(tag) =	ssettag s2;
	_ =	strace s9  }
0x27: {  	s1 =	sld [smem:$0x3FAB]  }
0x28: {  	s2 =	sld [smem:$0x3FAC]  }
0x29: {  	s4 =	sld [smem:$0x3FAE]  }
0x2a: {  	p0 =	seq.s32 s5, $0x0;
	s5 =	sld [smem:$0x3FAF]  }
0x2b: {  	s6 =	sld [smem:$0x3FB0]  }
0x2c: {  	s7 =	sld [smem:$0x3FB1]  }
0x2d: {  	s3 =	simm.s32 $0x108;
	s8 =	sld [smem:$0x3FB2]  }
0x2e: {  	s3 =	simm.s32 @!p0 $0x1082;
	s9 =	sld [smem:$0x3FB3]  }
0x2f: {  	lr =	sadd.s32 s0, s3;
	s0 =	sld [smem:$0x3FAA]  }
0x30: {  	s3 =	sld [smem:$0x3FAD]  }
0x31: {  	[smem:$0x3FB6] =	sst s10  }
0x32: {  	s10 =	sld [smem:$0x3FB4];
	_ =	sdelay $0x3  }
0x33: {  	p0 =	seq.s32 s10, $0x1;
	s10 =	sld [smem:$0x3FB6];
	_ =	sdelay $0x3  }
0x34: {  	[smem:$0x3FB6] =	sst s10  }
0x35: {  	s10 =	sld [smem:$0x3FB5];
	_ =	sdelay $0x3  }
0x36: {  	p1 =	seq.s32 s10, $0x1;
	s10 =	sld [smem:$0x3FB6];
	_ =	sdelay $0x3  }
0x37: {  	[smem:$0x3FB6] =	sst s10  }
0x38: {  	s10 =	sld [smem:$0x3FB7]  }
0x39: {  	_ = 	snop;
	(pc) =	sbr.ind lr, $3  }
0x3a: {  	_ = 	snop  }
0x3b: {  	_ = 	snop  }
0x3c: {  	p2 =	seq.s32 s10, $0x1;
	s10 =	sld [smem:$0x3FB6]  }
0x3d: {  	_ =	shalt  }
0x3e: {  	_ =	shalt  }
0x3f: {  	_ =	shalt  }
0x40: {  	_ =	shalt  }
0x41: {  	_ =	shalt  }
0x42: {  	_ =	shalt  }
0x43: {  	_ =	shalt  }
0x44: {  	_ =	shalt  }
0x45: {  	_ =	shalt  }
0x46: {  	_ =	shalt  }
0x47: {  	_ =	shalt  }
0x48: {  	_ =	shalt  }
0x49: {  	_ =	shalt  }
0x4a: {  	_ =	shalt  }
0x4b: {  	_ =	shalt  }
0x4c: {  	_ =	shalt  }
0x4d: {  	_ =	shalt  }
0x4e: {  	_ =	shalt  }
0x4f: {  	_ =	shalt  }
0x50: {  	_ =	shalt  }
0x51: {  	_ =	shalt  }
0x52: {  	_ =	shalt  }
0x53: {  	_ =	shalt  }
0x54: {  	_ =	shalt  }
0x55: {  	_ =	shalt  }
0x56: {  	_ =	shalt  }
0x57: {  	_ =	shalt  }
0x58: {  	_ =	shalt  }
0x59: {  	_ =	shalt  }
0x5a: {  	_ =	shalt  }
0x5b: {  	_ =	shalt  }
0x5c: {  	_ =	shalt  }
0x5d: {  	_ =	shalt  }
0x5e: {  	_ =	shalt  }
0x5f: {  	_ =	shalt  }
0x60: {  	_ =	shalt  }
0x61: {  	_ =	shalt  }
0x62: {  	_ =	shalt  }
0x63: {  	_ =	shalt  }
0x64: {  	_ =	shalt  }
0x65: {  	_ =	shalt  }
0x66: {  	_ =	shalt  }
0x67: {  	_ =	shalt  }
0x68: {  	_ =	shalt  }
0x69: {  	_ =	shalt  }
0x6a: {  	_ =	shalt  }
0x6b: {  	_ =	shalt  }
0x6c: {  	_ =	shalt  }
0x6d: {  	_ =	shalt  }
0x6e: {  	_ =	shalt  }
0x6f: {  	_ =	shalt  }
0x70: {  	_ =	shalt  }
0x71: {  	_ =	shalt  }
0x72: {  	_ =	shalt  }
0x73: {  	_ =	shalt  }
0x74: {  	_ =	shalt  }
0x75: {  	_ =	shalt  }
0x76: {  	_ =	shalt  }
0x77: {  	_ =	shalt  }
0x78: {  	_ =	shalt  }
0x79: {  	_ =	shalt  }
0x7a: {  	_ =	shalt  }
0x7b: {  	_ =	shalt  }
0x7c: {  	_ =	shalt  }
0x7d: {  	_ =	shalt  }
0x7e: {  	_ =	shalt  }
0x7f: {  	_ =	shalt  }
0x80: {  	_ =	shalt  }
0x81: {  	_ =	shalt  }
0x82: {  	_ =	shalt  }
0x83: {  	_ =	shalt  }
0x84: {  	_ =	shalt  }
0x85: {  	_ =	shalt  }
0x86: {  	_ =	shalt  }
0x87: {  	_ =	shalt  }
.Lfunc_end0:
.L_simem_size_0:
called_computation_lowered:
.L_overlay_start_0:
0x88: {  	s2 =	sld [smem:$0x3FD9]  }
0x89: {  	s3 =	sld [smem:$0x3FFE];
	_ =	sdelay $0x1  }
0x8a: {  	s1 =	srdreg.scid  }
0x8b: {  	s0 =	sand.u32 $0x1, s1  }
0x8c: {  	s17 =	sshll.u32 s0, $0xA;
	s2 =	sadd.s32 s3, s2  }
0x8d: {  	s2 =	sadd.s32 s2, s17  }
0x8e: {  	[smem:$0x3FC2] =	sst s2  }
0x8f: {  	_ = 	snop  }
0x90: {  	s2 =	sld [smem:$0x3FD0];
	(tm) =	ssettm $0x1  }
0x91: {  	s18 =	sld [smem:$0x3FFB];
	_ =	sdelay $0x3  }
0x92: {  	_ =	strace s18  }
0x93: {  	s3 =	sld [smem:$0x3FFC];
	_ =	sdelay $0x3  }
0x94: {  	_ =	strace s3  }
0x95: {  	s3 =	sld [smem:$0x3FFD];
	_ =	sdelay $0x3  }
0x96: {  	_ =	strace s3  }
0x97: {  	_ =	strace $0x8FFFFFFF  }
0x98: {  	s19 =	sld [smem:$0x3FDB];
	_ =	sdelay $0x1  }
0x99: {  	s4 =	simm.s32 $_scs_section_size  }
0x9a: {  	s5 =	simm.s32 $_size__tile_overlayer_lowered;
	s6 =	simm.s32 $_tile_overlayer_lowered  }
0x9b: {  	s22 =	simm.s32 $0x1BFF;
	s21 =	sshll.u32 s6, $0x1;
	s3 =	sadd.s32 s4, s19  }
0x9c: {  	s7 =	simm.s32 $0x0;
	s20 =	sshll.u32 s5, $0x1;
	s5 =	sadd.s32 s21, s3  }
0x9d: {  	[timem:s7], [sflag:s22] =	dma.local [hbm:s5], s20  }
0x9e: {  	_ =	swait.ge [sflag:s22], s20  }
0x9f: {  	s4 =	ssub.s32 $0x0, s20;
	[sflag:s22] =	ssyncset.done $0x0  }
0xa0: {  	[sflag:s22] =	ssyncadd.s32 s4;
	_ =	sdelay $0x1  }
0xa1: {  	s23 =	simm.s32 $0x1B8B  }
0xa2: {  	_ =	swait.ge [sflag:s23], $0x1  }
0xa3: {  	[sflag:s23] =	ssyncset.done $0x0  }
0xa4: {  	s25 =	simm.s32 $0x1B8E;
	s24 =	sld [smem:$0x3FFE];
	[sflag:s23] =	ssyncadd.s32 $0xFFFFFFFF  }
0xa5: {  	s26 =	simm.s32 $execute0_lowered;
	[smem:$0x3FD2] =	sst s25  }
0xa6: {  	s5 =	sshll.u32 s26, $0x1;
	_ =	strace $0x80000046;
	[dreg:$0x1] =	wrdreg $0xFFFFFFFF  }
0xa7: {  	s28 =	simm.s32 $_size_execute0_lowered;
	s3 =	sadd.s32 s3, s5;
	[dreg:$0x0] =	wrdreg $0x0  }
0xa8: {  	s5 =	sshll.u32 s28, $0x1;
	[dreg:$0x2] =	wrdreg s3  }
0xa9: {  	[dreg:$0x3] =	wrdreg s5  }
0xaa: {  	[dreg:$0x4] =	wrdreg $0xC0  }
0xab: {  	_ =	task [dreg:s7], $0x5FFFF  }
0xac: {  	[dreg:$0x1] =	wrdreg $0xFFFFFFFF  }
0xad: {  	[dreg:$0x0] =	wrdreg $0x60  }
0xae: {  	[dreg:$0x2] =	wrdreg s24  }
0xaf: {  	[dreg:$0x3] =	wrdreg s2  }
0xb0: {  	[dreg:$0x4] =	wrdreg $0x37D00  }
0xb1: {  	[dreg:$0x5] =	wrdreg $0x9  }
0xb2: {  	_ =	task.clear_ibuf [dreg:s7], $0x6FFFF;
	_ =	strace $0x90000046  }
0xb3: {  	s29 =	simm.s32 $0x9;
	_ =	strace $0x80000048  }
0xb4: {  	_ =	swait.ge [sflag:s29], $0x1  }
0xb5: {  	[sflag:s29] =	ssyncadd.s32 $0xFFFFFFFF  }
0xb6: {  	_ =	strace $0x90000048  }
0xb7: {  	_ =	sfence  }
0xb8: {  	s30 =	sld [smem:$0x0];
	_ =	sdelay $0x2  }
0xb9: {  	s31 =	sshll.u32 s1, $0xD;
	s1 =	sshrl.u32 s1, $0x2  }
0xba: {  	s3 =	sand.u32 $0x4000, s31;
	s1 =	sadd.s32 s1, s30  }
0xbb: {  	s0 =	sor.u32 s3, s0;
	s1 =	sshll.u32 s1, $0x11  }
0xbc: {  	s0 =	sor.u32 s1, s0  }
0xbd: {  	s0 =	sadd.s32 $0x8F2B, s0  }
0xbe: {  	[sflag:s0] =	ssyncadd.remote.s32 $0x1  }
0xbf: {  	_ =	sfence.sel $0xFFFF  }
0xc0: {  	[dreg:$0x0] =	wrdreg $0xFFFFFFFF;
	(pc) =	sbr.abs _section_cstart, $3  }
0xc1: {  	[dreg:$0x1] =	wrdreg $0xFFFFFFFF  }
0xc2: {  	_ =	task.clear_ibuf [dreg:s7], $0x2FFFF;
	_ =	strace $0x9FFFFFFF  }
0xc3: {  	(tm) =	ssettm $0x7FFFFFFF  }
tec
execute0_lowered:
.L_overlay_start_1:
0x0: {  	(tag) =	ssettag $0x1  }
0x1: {  	s6 =	rddreg [dreg:$0x0]  }
0x2: {  	s8 =	rddreg [dreg:$0x1];
	s1 =	srdreg.scid  }
0x3: {  	s0 =	stileid.u32;
	s2 =	rddreg [dreg:$0x2];
	s3 =	simm.s32 $0x0  }
0x4: {  	s14 =	simm.s32 $0x2;
	s15 =	simm.s32 $0x2800;
	s16 =	simm.s32 $0x2FD0  }
0x5: {  	s17 =	simm.s32 $0x7D;
	s18 =	simm.s32 $0x80;
	s19 =	simm.s32 $0x100  }
0x6: {  	s20 =	simm.s32 $0x180;
	s21 =	simm.s32 $0x1;
	s24 =	simm.s32 $0x0  }
0x7: {  	s7 =	sand.u32 $0x1, s1;
	s4 =	sshll.u32 s0, $0x1;
	s1 =	rddreg [dreg:$0x3]  }
0x8: {  	[smem:$0x7FF] =	sst s3;
	s10 =	smul.u32 $0xA000, s0;
	s5 =	sadd.s32 $0x16A00, s6  }
0x9: {  	s13 =	smul.u32 $0x500, s0;
	s22 =	sshll.u32 s0, $0x6;
	s4 =	sor.u32 s7, s4  }
0xa: {  	_ =	strace $0x80000047;
	s11 =	ssub.s32 $0x2, s7;
	s12 =	smul.u32 $0x5000, s7  }
0xb: {  	s22 =	sor.u32 $0x1C02, s22;
	s9 =	smul.u32 $0x2800, s4;
	s29 =	sshrl.u32 s11, $0x1  }
0xc: {  	s4 =	sadd.s32 $0x16C00, s6;
	s30 =	sshrl.u32 s10, $0x2;
	s11 =	ssub.s32 s11, s29  }
0xd: {  	s7 =	sadd.s32 s30, s2;
	s31 =	sadd.s32 s13, s12;
	s9 =	sshrl.u32 s9, $0x3  }
0xe: {  	s8 =	sadd.s32 s8, s31;
	s10 =	sadd.s32 $0x800, s7;
	s12 =	sadd.s32 $0x1800, s7  }
0xf: {  	s13 =	sadd.s32 $0x2000, s7;
	s23 =	sshrl.u32 s7, $0x3;
	s6 =	sadd.s32 s6, s9  }
0x10: {  	s9 =	smax.u32 s11, $0x1;
	s11 =	sadd.s32 $0x1000, s7;
	s6 =	sadd.s32 $0xCA00, s6  }
.LBB2_1:
0x11: {  	[tilespmem:s3], [sflag:$0x2] =	stream.linear.gather [hbm4b:s6+s3], $0x2800, $0x38;
	[tilespmem:$0x5FD0] =	vst v63  }
0x12: {  	_ =	swait.ge [sflag:s14], $0x2800  }
0x13: {  	[sflag:s14] =	ssyncset.done $0x0  }
0x14: {  	[sflag:s14] =	ssyncadd.s32 $0xFFFFD800  }
0x15: {  	[tilespmem:s15], [sflag:$0x2] =	stream.linear.gather [hbm4b:s4+s3], $0x7D0, $0x38;
	[tilespmem:$0x5FD0] =	vst v63  }
0x16: {  	_ =	swait.ge [sflag:s14], $0x7D0  }
0x17: {  	[sflag:s14] =	ssyncset.done $0x0  }
0x18: {  	[sflag:s14] =	ssyncadd.s32 $0xFFFFF830  }
0x19: {  	[tilespmem:s16], [sflag:$0x2] =	stream.linear.gather [hbm4b:s5+s3], $0x800, $0x38;
	[tilespmem:$0x5FD0] =	vst v63  }
0x1a: {  	_ =	swait.ge [sflag:s14], $0x800  }
0x1b: {  	[sflag:s14] =	ssyncset.done $0x0  }
0x1c: {  	[sflag:s14] =	ssyncadd.s32 $0xFFFFF800  }
0x1d: {  	[spmem:s7] =	stream.linear.scatter [tilespmem:s16], [sflag:$0x2], $0x800, $0x38;
	[tilespmem:$0x5FD0] =	vst v63  }
0x1e: {  	_ =	swait.ge [sflag:s14], $0x800  }
0x1f: {  	[sflag:s14] =	ssyncset.done $0x0  }
0x20: {  	[sflag:s14] =	ssyncadd.s32 $0xFFFFF800  }
0x21: {  	[spmem:s10] =	stream.linear.scatter [tilespmem:s16], [sflag:$0x2], $0x800, $0x38;
	[tilespmem:$0x5FD0] =	vst v63  }
0x22: {  	_ =	swait.ge [sflag:s14], $0x800  }
0x23: {  	[sflag:s14] =	ssyncset.done $0x0  }
0x24: {  	[sflag:s14] =	ssyncadd.s32 $0xFFFFF800  }
0x25: {  	[spmem:s11] =	stream.linear.scatter [tilespmem:s16], [sflag:$0x2], $0x800, $0x38;
	[tilespmem:$0x5FD0] =	vst v63  }
0x26: {  	_ =	swait.ge [sflag:s14], $0x800  }
0x27: {  	[sflag:s14] =	ssyncset.done $0x0  }
0x28: {  	[sflag:s14] =	ssyncadd.s32 $0xFFFFF800  }
0x29: {  	[spmem:s12] =	stream.linear.scatter [tilespmem:s16], [sflag:$0x2], $0x800, $0x38;
	[tilespmem:$0x5FD0] =	vst v63  }
0x2a: {  	_ =	swait.ge [sflag:s14], $0x800  }
0x2b: {  	[sflag:s14] =	ssyncset.done $0x0  }
0x2c: {  	[sflag:s14] =	ssyncadd.s32 $0xFFFFF800  }
0x2d: {  	[spmem:s13] =	stream.linear.scatter [tilespmem:s16], [sflag:$0x2], $0x800, $0x38;
	[tilespmem:$0x5FD0] =	vst v63  }
0x2e: {  	_ =	swait.ge [sflag:s14], $0x800  }
0x2f: {  	[sflag:s14] =	ssyncset.done $0x0  }
0x30: {  	[sflag:s14] =	ssyncadd.s32 $0xFFFFF800  }
0x31: {  	[bflag:$0x0] =	sbarrier.arrive $0xFFFF  }
0x32: {  	[spmem:s2] =	stream.indirect.scatter.add.f32 [tilespmem:s15], [sflag:$0x1], $0x10, s3, s17, $0xb8;
	[tilespmem:$0x5FD0] =	vst v63  }
0x33: {  	_ = 	snop  }
0x34: {  	[spmem:s2] =	stream.indirect.scatter.add.f32 [tilespmem:s15], [sflag:$0x1], $0x10, s18, s17, $0xb8;
	[tilespmem:$0x5FD0] =	vst v63  }
0x35: {  	_ = 	snop  }
0x36: {  	[spmem:s2] =	stream.indirect.scatter.add.f32 [tilespmem:s15], [sflag:$0x1], $0x10, s19, s17, $0xb8;
	[tilespmem:$0x5FD0] =	vst v63  }
0x37: {  	_ = 	snop  }
0x38: {  	[spmem:s2] =	stream.indirect.scatter.add.f32 [tilespmem:s15], [sflag:$0x1], $0x10, s20, s17, $0xb8;
	[tilespmem:$0x5FD0] =	vst v63  }
0x39: {  	s25 =	simm.s32 $0x200  }
0x3a: {  	[spmem:s2] =	stream.indirect.scatter.add.f32 [tilespmem:s15], [sflag:$0x1], $0x10, s25, s17, $0xb8;
	[tilespmem:$0x5FD0] =	vst v63  }
0x3b: {  	_ =	swait.ge [sflag:s21], $0x7D0  }
0x3c: {  	s25 =	simm.s32 $0xA00;
	[sflag:s21] =	ssyncset.done $0x0  }
.LBB2_2:
0x3d: {  	s26 =	sshra.s32 s25, $0x2;
	[sflag:s21] =	ssyncadd.s32 $0xFFFFF830;
	p0 =	sne.s32 s25, $0x9E00  }
0x3e: {  	[spmem:s2] =	stream.indirect.scatter.add.f32 [tilespmem:s15], [sflag:$0x1], $0x10, s26, s17, $0xb8;
	[tilespmem:$0x5FD0] =	vst v63  }
.Ltmp0:
0x3f: {  	_ = 	snop;
	(pc) =	sbr.rel @p0 .LBB2_2-.Ltmp0, $4  }
0x40: {  	_ = 	snop  }
0x41: {  	s25 =	sadd.s32 $0x200, s25  }
0x42: {  	_ =	swait.ge [sflag:s21], $0x7D0  }
0x43: {  	[sflag:s21] =	ssyncset.done $0x0  }
0x44: {  	[sflag:s21] =	ssyncadd.s32 $0xFFFFF830  }
0x45: {  	_ =	swait.ge [sflag:s21], $0x7D0  }
0x46: {  	[sflag:s21] =	ssyncset.done $0x0  }
0x47: {  	[sflag:s21] =	ssyncadd.s32 $0xFFFFF830  }
0x48: {  	_ =	swait.ge [sflag:s21], $0x7D0  }
0x49: {  	[sflag:s21] =	ssyncset.done $0x0  }
0x4a: {  	[sflag:s21] =	ssyncadd.s32 $0xFFFFF830  }
0x4b: {  	_ =	swait.ge [sflag:s21], $0x7D0  }
0x4c: {  	[sflag:s21] =	ssyncset.done $0x0  }
0x4d: {  	[sflag:s21] =	ssyncadd.s32 $0xFFFFF830  }
0x4e: {  	_ =	swait.ge [sflag:s21], $0x7D0  }
0x4f: {  	s24 =	sadd.s32 $0x1, s24;
	[sflag:s21] =	ssyncset.done $0x0  }
0x50: {  	p0 =	sne.s32 s24, s9;
	[sflag:s21] =	ssyncadd.s32 $0xFFFFF830  }
.Ltmp1:
0x51: {  	[bflag:$0x0] =	sbarrier.arrive $0xFFFF;
	(pc) =	sbr.rel @p0 .LBB2_1-.Ltmp1, $4  }
0x52: {  	[hbm:s8], [sflag:s22] =	dma.local [spmem:s23], $0x500  }
0x53: {  	_ =	swait.ge [sflag:s14], $0x500  }
0x54: {  	[sflag:s14] =	ssyncset.done $0x0  }
0x55: {  	[sflag:s14] =	ssyncadd.s32 $0xFFFFFB00  }
0x56: {  	_ =	sfence.sel $0x180000  }
0x57: {  	[bflag:$0x0] =	sbarrier.arrive $0xFFFF  }
0x58: {  	p0 =	sne.s32 s0, $0x0;
	_ =	strace $0x90000047  }
0x59: {  	s0 =	sadd.s32 @!p0 $0x100000, s1;
	[bflag:$0x2] =	sbarrier.arrive $0xFFFF  }
0x5a: {  	[sflag:s0] =	ssyncadd.tile.s32 @!p0 $0x1;
	_ =	shalt  }
.Lfunc_end2:
_tile_overlayer_lowered:
.L_overlay_start_2:
0x5b: {  	(tag) =	ssettag $0x2  }
0x5c: {  	s0 =	rddreg [dreg:$0x0];
	s2 =	stileid.u32  }
0x5d: {  	s1 =	rddreg [dreg:$0x1];
	p0 =	sne.s32 s2, $0x0  }
0x5e: {  	s3 =	rddreg [dreg:$0x2];
	[bflag:$0x3] =	sbarrier.arrive $0xFFFF;
	s2 =	simm.s32 @!p0 $0x1C02  }
0x5f: {  	[timem:s3], [sflag:s2] =	dma.local @!p0 [hbm:s0], s1  }
0x60: {  	s0 =	simm.s32 @!p0 $0x2  }
0x61: {  	_ =	swait.ge @!p0 [sflag:s0], s1  }
0x62: {  	s1 =	ssub.s32 @!p0 $0x0, s1;
	[sflag:s0] =	ssyncset.done @!p0 $0x0  }
0x63: {  	[sflag:s0] =	ssyncadd.s32 @!p0 s1  }
0x64: {  	[bflag:$0x3] =	sbarrier.arrive $0xFFFF  }
0x65: {  	_ =	shalt  }

</sc_bundles>
